<compile_context>
chip_gen: v7x
topology: tpu7x:2x2x1
jax: 0.10.2.dev20260603
libtpu: 0.0.44.dev20260713+nightly
codegen_flags: <defaults>
</compile_context>

<pallas_src>
import functools

import jax
import jax.numpy as jnp
from jax import lax
from jax.experimental import pallas as pl
from jax.experimental.pallas import tpu as pltpu
from jax.experimental.pallas import tpu_sc as plsc

CENTER_R = 16.0
NROWS = 33
NPAD = 48
NGATH = 40
L = 16

NC = 2
NS = 16
NW = NC * NS


def _smooth_l1_vec(d):
    ad = jnp.abs(d)
    return jnp.where(ad < 1.0, 0.5 * d * d, ad - 0.5)


def _make_sc_call(B, H, W):
    batches_per_w = B // NW

    mesh = plsc.VectorSubcoreMesh(core_axis_name="c", subcore_axis_name="s")

    @functools.partial(
        pl.kernel,
        out_type=jax.ShapeDtypeStruct((NW, 2, L), jnp.float32),
        mesh=mesh,
        scratch_types=[
            pltpu.VMEM((2, B), jnp.float32),
            pltpu.VMEM((NPAD,), jnp.int32),
            pltpu.VMEM((2 * NPAD,), jnp.int32),
            pltpu.VMEM((NPAD,), jnp.int32),
            pltpu.VMEM((2 * NPAD,), jnp.int32),
            pltpu.VMEM((NGATH, 256), jnp.float32),
            pltpu.VMEM((2 * NGATH, 256), jnp.float32),
            pltpu.VMEM((NGATH, 256), jnp.float32),
            pltpu.VMEM((2 * NGATH, 256), jnp.float32),
            pltpu.VMEM((2, L), jnp.float32),
            pltpu.SemaphoreType.DMA,
        ],
        compiler_params=pltpu.CompilerParams(needs_layout_passes=False),
    )
    def sc_loss(cls_hbm, loc_hbm, cr_hbm, out_hbm,
                cr_v, idx_c0, idx_l0, idx_c1, idx_l1,
                buf_c0, buf_l0, buf_c1, buf_l1, res_v, sem):
        wid = lax.axis_index("s") * NC + lax.axis_index("c")
        pltpu.sync_copy(cr_hbm, cr_v)

        ii = lax.iota(jnp.int32, L)
        iif = ii.astype(jnp.float32)

        def batch_params(b):
            q = b // L
            lane = b - q * L
            chunk0 = cr_v[0, pl.ds(q * L, L)]
            chunk1 = cr_v[1, pl.ds(q * L, L)]
            sel = (ii == lane).astype(jnp.float32)
            c0 = jnp.sum(chunk0 * sel) * jnp.float32(H - 1)
            c1 = jnp.sum(chunk1 * sel) * jnp.float32(W - 1)
            r0 = jnp.maximum(c0 - CENTER_R, 0.0).astype(jnp.int32)
            o = jnp.maximum(c1 - CENTER_R, 0.0).astype(jnp.int32)
            a = jnp.minimum((o >> 4) << 4, W - 3 * L)
            return c0, c1, r0, a

        def build_idx(b, r0, idx_c, idx_l):
            for v in range(NPAD // L):
                r = jnp.minimum(r0 + ii + v * L, H - 1)
                idx_c[pl.ds(v * L, L)] = b * H + r
                idx_l[pl.ds(v * L, L)] = (b * 2) * H + r
                idx_l[pl.ds(NPAD + v * L, L)] = (b * 2 + 1) * H + r

        params = []
        copies = []
        for t in range(batches_per_w):
            b = wid * batches_per_w + t
            c0, c1, r0, a = batch_params(b)
            idx_c = (idx_c0, idx_c1)[t]
            idx_l = (idx_l0, idx_l1)[t]
            build_idx(b, r0, idx_c, idx_l)
            buf_c = (buf_c0, buf_c1)[t]
            buf_l = (buf_l0, buf_l1)[t]
            cp_c = pltpu.async_copy(
                cls_hbm.at[idx_c.at[pl.ds(0, NGATH)]], buf_c, sem)
            cp_l0 = pltpu.async_copy(
                loc_hbm.at[idx_l.at[pl.ds(0, NGATH)]],
                buf_l.at[pl.ds(0, NGATH)], sem)
            cp_l1 = pltpu.async_copy(
                loc_hbm.at[idx_l.at[pl.ds(NPAD, NGATH)]],
                buf_l.at[pl.ds(NGATH, NGATH)], sem)
            params.append((c0, c1, r0, a))
            copies.append((cp_c, cp_l0, cp_l1))

        total = jnp.zeros((L,), jnp.float32)
        count = jnp.zeros((L,), jnp.float32)
        for t in range(batches_per_w):
            c0, c1, r0, a = params[t]
            buf_c = (buf_c0, buf_c1)[t]
            buf_l = (buf_l0, buf_l1)[t]
            copies[t][0].wait()
            copies[t][1].wait()
            copies[t][2].wait()

            cols = []
            for h in range(3):
                o16 = a + h * L
                j = o16.astype(jnp.float32) + iif
                bias1 = c1 - j
                cols.append((o16, bias1, jnp.abs(bias1) <= CENTER_R))
            r0f = r0.astype(jnp.float32)

            def row_body(r, carry):
                rf = r0f + r.astype(jnp.float32)
                rmask = (jnp.abs(c0 - rf) <= CENTER_R) & (rf <= jnp.float32(H - 1))
                bias0 = c0 - rf
                out = []
                for h in range(3):
                    o16, bias1, cmask = cols[h]
                    tot, cnt = carry[h]
                    clsv = buf_c[r, pl.ds(o16, L)]
                    loc0 = buf_l[r, pl.ds(o16, L)]
                    loc1 = buf_l[NGATH + r, pl.ds(o16, L)]
                    m = cmask & rmask & (clsv > 0.0)
                    val = _smooth_l1_vec(loc0 - bias0) + _smooth_l1_vec(loc1 - bias1)
                    out.append((tot + jnp.where(m, val, 0.0),
                                cnt + jnp.where(m, 1.0, 0.0)))
                return tuple(out)

            acc = lax.fori_loop(
                0, NROWS, row_body,
                ((total, count), (jnp.zeros((L,), jnp.float32),) * 2,
                 (jnp.zeros((L,), jnp.float32),) * 2))
            total = acc[0][0] + acc[1][0] + acc[2][0]
            count = acc[0][1] + acc[1][1] + acc[2][1]

        res_v[0, pl.ds(0, L)] = total
        res_v[1, pl.ds(0, L)] = count
        pltpu.sync_copy(res_v, out_hbm.at[wid])

    return sc_loss


def kernel(cls_input, loc_input, center_rate):
    B, _, H, W = cls_input.shape
    cls_tab = cls_input.reshape(B * H, W)
    loc_tab = loc_input.reshape(B * 2 * H, W)
    partials = _make_sc_call(B, H, W)(cls_tab, loc_tab, center_rate)
    total = partials[:, 0, :].sum()
    count = partials[:, 1, :].sum()
    loss = total / jnp.maximum(count * 2.0, 1.0)
    return jnp.where(count == 0, 0.0, loss)

# --- scband reference (transcript-rebuilt; emitter-appended) ---
"""Pipeline reference for scband-smooth-l1-loss-65635690217934 (READ-ONLY COPY).

The authoritative reference and input builder live on the scoring server;
editing this copy changes nothing except your own understanding.
"""

import jax, jax.numpy as jnp
import numpy as np

CENTER_R = 16
WEIGHT_RATE = 1.0
SCORE_THR = 0.5


def _meshgrid(h, w):
    x = jnp.arange(h)
    y = jnp.arange(w)
    xx, yy = jnp.meshgrid(x, y)
    return xx, yy


def create_loc_bias(size, center_rate):
    b, c, h, w = size
    xx, yy = _meshgrid(h, w)
    loc_map = jnp.concatenate((yy[..., None], xx[..., None]), axis=-1)[None, ...]
    loc_map = jnp.broadcast_to(loc_map, (b,) + loc_map.shape[1:])
    scale = jnp.array([h - 1, w - 1], dtype=jnp.float32)
    loc_norm = loc_map.astype(jnp.float32) / scale
    cr = jnp.stack((center_rate[0], center_rate[1]), axis=1)[:, None, None, :]
    bias = (cr - loc_norm) * scale
    return bias.astype(jnp.float32)


def create_labels(size, center_rate, center_R):
    b, c, h, w = size
    xx, yy = _meshgrid(h, w)
    cr = jnp.stack((center_rate[0], center_rate[1]), axis=1)
    c0 = cr[:, 0] * (h - 1)
    c1 = cr[:, 1] * (w - 1)
    d0 = jnp.abs(c0[:, None, None] - yy[None, ...].astype(jnp.float32))
    d1 = jnp.abs(c1[:, None, None] - xx[None, ...].astype(jnp.float32))
    return (jnp.maximum(d0, d1) <= center_R).astype(jnp.float32)


def _smooth_l1(x, y):
    d = x - y
    ad = jnp.abs(d)
    return jnp.where(ad < 1.0, 0.5 * d * d, ad - 0.5)


def setup_inputs(seed: int = 0):
    key = jax.random.key(seed)
    k1, k2, k3 = jax.random.split(key, 3)
    cls_input = jax.random.normal(k1, (64, 1, 256, 256), dtype=jnp.float32)
    loc_input = jax.random.normal(k2, (64, 2, 256, 256), dtype=jnp.float32)
    center_rate = jax.random.uniform(k3, (2, 64), dtype=jnp.float32)
    return {"cls_input": cls_input, "loc_input": loc_input, "center_rate": center_rate}


def reference(cls_input, loc_input, center_rate):
    size = cls_input.shape
    target = create_labels(size, center_rate, CENTER_R)
    reg_mask = (target == 1).reshape(-1)
    cls_mask = jax.nn.sigmoid(cls_input).reshape(-1) > SCORE_THR
    mask = (reg_mask & cls_mask).astype(jnp.float32)
    bias_map = create_loc_bias(size, center_rate).reshape(-1, 2)
    res_pos_map = jnp.transpose(loc_input, (0, 2, 3, 1)).reshape(-1, 2)
    per_elem = _smooth_l1(res_pos_map, bias_map)
    count = mask.sum()
    loss = (per_elem * mask[:, None]).sum() / jnp.maximum(count * 2.0, 1.0)
    loss = jnp.where(count == 0, 0.0, loss)
    return loss * WEIGHT_RATE

if __name__ == "__main__":
    import jax
    _d = setup_inputs()
    print(jax.jit(kernel)(*tuple(_d.values())))

</pallas_src>

<mosaic_0001>
#map = affine_map<(d0, d1) -> (0, 0)>
#map1 = affine_map<(d0, d1) -> (0, 0, 0)>
module attributes {stable_mosaic.version = 14 : i64} {
  func.func @sc_loss(%arg0: i32, %arg1: i32, %arg2: memref<16384x256xf32, #tpu.memory_space<hbm>>, %arg3: memref<32768x256xf32, #tpu.memory_space<hbm>>, %arg4: memref<2x64xf32, #tpu.memory_space<hbm>>, %arg5: memref<32x2x16xf32, #tpu.memory_space<hbm>>, %arg6: memref<2x64xf32, #tpu.memory_space<vmem>>, %arg7: memref<48xi32, #tpu.memory_space<vmem>>, %arg8: memref<96xi32, #tpu.memory_space<vmem>>, %arg9: memref<48xi32, #tpu.memory_space<vmem>>, %arg10: memref<96xi32, #tpu.memory_space<vmem>>, %arg11: memref<40x256xf32, #tpu.memory_space<vmem>>, %arg12: memref<80x256xf32, #tpu.memory_space<vmem>>, %arg13: memref<40x256xf32, #tpu.memory_space<vmem>>, %arg14: memref<80x256xf32, #tpu.memory_space<vmem>>, %arg15: memref<2x16xf32, #tpu.memory_space<vmem>>, %arg16: memref<!tpu.dma_semaphore, #tpu.memory_space<semaphore_mem>>) attributes {dimension_semantics = [#tpu.dimension_semantics<core_parallel>, #tpu.dimension_semantics<subcore_parallel>], iteration_bounds = array<i64: 2, 16>, scalar_prefetch = 0 : i64, scratch_operands = 11 : i64, tpu.core_type = #tpu.core_type<sc_vector_subcore>, window_params = [{transform_indices = #map}, {transform_indices = #map}, {transform_indices = #map}, {transform_indices = #map1}]} {
    %mul3A = arith.constant 2 : i32
    %mul3A_0 = arith.muli %arg1, %mul3A : i32
    %add3A = arith.addi %mul3A_0, %arg0 : i32
    "tpu.region"() ({
      %run_scoped3A = tpu.sem_alloc : memref<!tpu.dma_semaphore, #tpu.memory_space<semaphore_mem>>
      tpu.enqueue_dma source(%arg4 : memref<2x64xf32, #tpu.memory_space<hbm>>) target(%arg6 : memref<2x64xf32, #tpu.memory_space<vmem>>) target_semaphore(%run_scoped3A : memref<!tpu.dma_semaphore, #tpu.memory_space<semaphore_mem>>)
      tpu.wait_dma2 semaphore(%run_scoped3A : memref<!tpu.dma_semaphore, #tpu.memory_space<semaphore_mem>>) src(%arg4 : memref<2x64xf32, #tpu.memory_space<hbm>>) dst(%arg6 : memref<2x64xf32, #tpu.memory_space<vmem>>)
      tpu.yield
    }) : () -> ()
    %iota3A = tpu.iota {dimensions = array<i32: 0>} : vector<16xi32>
    %convert_element_type3A = arith.sitofp %iota3A : vector<16xi32> to vector<16xf32>
    %mul3A_1 = arith.constant 2 : i32
    %mul3A_2 = arith.muli %add3A, %mul3A_1 : i32
    %add3A_3 = arith.constant 0 : i32
    %add3A_4 = arith.addi %mul3A_2, %add3A_3 : i32
    %jit3A = arith.constant 16 : i32
    %div3A = arith.divsi %add3A_4, %jit3A : i32
    %sign3A = arith.constant 0 : i32
    %sign3A_5 = arith.cmpi sgt, %add3A_4, %sign3A : i32
    %sign3A_6 = arith.extui %sign3A_5 : i1 to i32
    %sign3A_7 = arith.constant 0 : i32
    %sign3A_8 = arith.cmpi slt, %add3A_4, %sign3A_7 : i32
    %sign3A_9 = arith.extui %sign3A_8 : i1 to i32
    %sign3A_10 = arith.subi %sign3A_6, %sign3A_9 : i32
    %sign3A_11 = arith.constant 0 : i32
    %sign3A_12 = arith.cmpi sgt, %jit3A, %sign3A_11 : i32
    %sign3A_13 = arith.extui %sign3A_12 : i1 to i32
    %sign3A_14 = arith.constant 0 : i32
    %sign3A_15 = arith.cmpi slt, %jit3A, %sign3A_14 : i32
    %sign3A_16 = arith.extui %sign3A_15 : i1 to i32
    %sign3A_17 = arith.subi %sign3A_13, %sign3A_16 : i32
    %ne3A = arith.cmpi ne, %sign3A_10, %sign3A_17 : i32
    %rem3A = arith.remsi %add3A_4, %jit3A : i32
    %ne3A_18 = arith.constant 0 : i32
    %ne3A_19 = arith.cmpi ne, %rem3A, %ne3A_18 : i32
    %and3A = arith.andi %ne3A, %ne3A_19 : i1
    %sub3A = arith.constant 1 : i32
    %sub3A_20 = arith.subi %div3A, %sub3A : i32
    %select_n3A = arith.select %and3A, %sub3A_20, %div3A : i32
    %mul3A_21 = arith.constant 16 : i32
    %mul3A_22 = arith.muli %select_n3A, %mul3A_21 : i32
    %sub3A_23 = arith.subi %add3A_4, %mul3A_22 : i32
    %mul3A_24 = arith.constant 16 : i32
    %mul3A_25 = arith.muli %select_n3A, %mul3A_24 : i32
    %get3A = arith.constant 0 : i32
    %get3A_26 = arith.index_cast %get3A : i32 to index
    %get3A_27 = arith.index_cast %mul3A_25 : i32 to index
    %get3A_28 = tpu.vector_load %arg6[%get3A_26, %get3A_27] {strides = array<i32>} : memref<2x64xf32, #tpu.memory_space<vmem>>, vector<16xf32>,
    %mul3A_29 = arith.constant 16 : i32
    %mul3A_30 = arith.muli %select_n3A, %mul3A_29 : i32
    %get3A_31 = arith.constant 1 : i32
    %get3A_32 = arith.index_cast %get3A_31 : i32 to index
    %get3A_33 = arith.index_cast %mul3A_30 : i32 to index
    %get3A_34 = tpu.vector_load %arg6[%get3A_32, %get3A_33] {strides = array<i32>} : memref<2x64xf32, #tpu.memory_space<vmem>>, vector<16xf32>,
    %eq3A = vector.broadcast %sub3A_23 : i32 to vector<16xi32>
    %eq3A_35 = arith.cmpi eq, %iota3A, %eq3A : vector<16xi32>
    %convert_element_type3A_36 = arith.extui %eq3A_35 : vector<16xi1> to vector<16xi32>
    %convert_element_type3A_37 = arith.sitofp %convert_element_type3A_36 : vector<16xi32> to vector<16xf32>
    %mul3A_38 = arith.mulf %get3A_28, %convert_element_type3A_37 : vector<16xf32>
    %reduce_sum3A = arith.constant true
    %reduce_sum3A_39 = vector.broadcast %reduce_sum3A : i1 to vector<16xi1>
    %reduce_sum3A_40 = tpu.scan <sum>, %mul3A_38 masked %reduce_sum3A_39 : vector<16xf32>, vector<16xi1> -> vector<16xf32>
    %reduce_sum3A_41 = vector.extract %reduce_sum3A_40[15] : f32 from vector<16xf32>
    %mul3A_42 = arith.constant 2.550000e+02 : f32
    %mul3A_43 = arith.mulf %reduce_sum3A_41, %mul3A_42 : f32
    %mul3A_44 = arith.mulf %get3A_34, %convert_element_type3A_37 : vector<16xf32>
    %reduce_sum3A_45 = arith.constant true
    %reduce_sum3A_46 = vector.broadcast %reduce_sum3A_45 : i1 to vector<16xi1>
    %reduce_sum3A_47 = tpu.scan <sum>, %mul3A_44 masked %reduce_sum3A_46 : vector<16xf32>, vector<16xi1> -> vector<16xf32>
    %reduce_sum3A_48 = vector.extract %reduce_sum3A_47[15] : f32 from vector<16xf32>
    %mul3A_49 = arith.constant 2.550000e+02 : f32
    %mul3A_50 = arith.mulf %reduce_sum3A_48, %mul3A_49 : f32
    %sub3A_51 = arith.constant 1.600000e+01 : f32
    %sub3A_52 = arith.subf %mul3A_43, %sub3A_51 : f32
    %max3A = arith.constant 0.000000e+00 : f32
    %max3A_53 = arith.maximumf %sub3A_52, %max3A : f32
    %convert_element_type3A_54 = arith.fptosi %max3A_53 : f32 to i32
    %sub3A_55 = arith.constant 1.600000e+01 : f32
    %sub3A_56 = arith.subf %mul3A_50, %sub3A_55 : f32
    %max3A_57 = arith.constant 0.000000e+00 : f32
    %max3A_58 = arith.maximumf %sub3A_56, %max3A_57 : f32
    %convert_element_type3A_59 = arith.fptosi %max3A_58 : f32 to i32
    %shift_right_arithmetic3A = arith.constant 4 : i32
    %shift_right_arithmetic3A_60 = arith.shrsi %convert_element_type3A_59, %shift_right_arithmetic3A : i32
    %shift_left3A = arith.constant 4 : i32
    %shift_left3A_61 = arith.shli %shift_right_arithmetic3A_60, %shift_left3A : i32
    %min3A = arith.constant 208 : i32
    %min3A_62 = arith.minsi %shift_left3A_61, %min3A : i32
    %add3A_63 = vector.broadcast %convert_element_type3A_54 : i32 to vector<16xi32>
    %add3A_64 = arith.addi %add3A_63, %iota3A : vector<16xi32>
    %add3A_65 = arith.constant 0 : i32
    %add3A_66 = vector.broadcast %add3A_65 : i32 to vector<16xi32>
    %add3A_67 = arith.addi %add3A_64, %add3A_66 : vector<16xi32>
    %min3A_68 = arith.constant 255 : i32
    %min3A_69 = vector.broadcast %min3A_68 : i32 to vector<16xi32>
    %min3A_70 = arith.minsi %add3A_67, %min3A_69 : vector<16xi32>
    %mul3A_71 = arith.constant 256 : i32
    %mul3A_72 = arith.muli %add3A_4, %mul3A_71 : i32
    %add3A_73 = vector.broadcast %mul3A_72 : i32 to vector<16xi32>
    %add3A_74 = arith.addi %add3A_73, %min3A_70 : vector<16xi32>
    %swap3A = arith.constant 0 : index
    %swap3A_75 = tpu.vector_load %arg7[%swap3A] {strides = array<i32>} : memref<48xi32, #tpu.memory_space<vmem>>, vector<16xi32>,
    tpu.vector_store %arg7[%swap3A], %add3A_74 {strides = array<i32>} : memref<48xi32, #tpu.memory_space<vmem>>, vector<16xi32>,
    %mul3A_76 = arith.constant 2 : i32
    %mul3A_77 = arith.muli %add3A_4, %mul3A_76 : i32
    %mul3A_78 = arith.constant 256 : i32
    %mul3A_79 = arith.muli %mul3A_77, %mul3A_78 : i32
    %add3A_80 = vector.broadcast %mul3A_79 : i32 to vector<16xi32>
    %add3A_81 = arith.addi %add3A_80, %min3A_70 : vector<16xi32>
    %swap3A_82 = arith.constant 0 : index
    %swap3A_83 = tpu.vector_load %arg8[%swap3A_82] {strides = array<i32>} : memref<96xi32, #tpu.memory_space<vmem>>, vector<16xi32>,
    tpu.vector_store %arg8[%swap3A_82], %add3A_81 {strides = array<i32>} : memref<96xi32, #tpu.memory_space<vmem>>, vector<16xi32>,
    %mul3A_84 = arith.constant 2 : i32
    %mul3A_85 = arith.muli %add3A_4, %mul3A_84 : i32
    %add3A_86 = arith.constant 1 : i32
    %add3A_87 = arith.addi %mul3A_85, %add3A_86 : i32
    %mul3A_88 = arith.constant 256 : i32
    %mul3A_89 = arith.muli %add3A_87, %mul3A_88 : i32
    %add3A_90 = vector.broadcast %mul3A_89 : i32 to vector<16xi32>
    %add3A_91 = arith.addi %add3A_90, %min3A_70 : vector<16xi32>
    %swap3A_92 = arith.constant 48 : index
    %swap3A_93 = tpu.vector_load %arg8[%swap3A_92] {strides = array<i32>} : memref<96xi32, #tpu.memory_space<vmem>>, vector<16xi32>,
    tpu.vector_store %arg8[%swap3A_92], %add3A_91 {strides = array<i32>} : memref<96xi32, #tpu.memory_space<vmem>>, vector<16xi32>,
    %add3A_94 = vector.broadcast %convert_element_type3A_54 : i32 to vector<16xi32>
    %add3A_95 = arith.addi %add3A_94, %iota3A : vector<16xi32>
    %add3A_96 = arith.constant 16 : i32
    %add3A_97 = vector.broadcast %add3A_96 : i32 to vector<16xi32>
    %add3A_98 = arith.addi %add3A_95, %add3A_97 : vector<16xi32>
    %min3A_99 = arith.constant 255 : i32
    %min3A_100 = vector.broadcast %min3A_99 : i32 to vector<16xi32>
    %min3A_101 = arith.minsi %add3A_98, %min3A_100 : vector<16xi32>
    %mul3A_102 = arith.constant 256 : i32
    %mul3A_103 = arith.muli %add3A_4, %mul3A_102 : i32
    %add3A_104 = vector.broadcast %mul3A_103 : i32 to vector<16xi32>
    %add3A_105 = arith.addi %add3A_104, %min3A_101 : vector<16xi32>
    %swap3A_106 = arith.constant 16 : index
    %swap3A_107 = tpu.vector_load %arg7[%swap3A_106] {strides = array<i32>} : memref<48xi32, #tpu.memory_space<vmem>>, vector<16xi32>,
    tpu.vector_store %arg7[%swap3A_106], %add3A_105 {strides = array<i32>} : memref<48xi32, #tpu.memory_space<vmem>>, vector<16xi32>,
    %mul3A_108 = arith.constant 2 : i32
    %mul3A_109 = arith.muli %add3A_4, %mul3A_108 : i32
    %mul3A_110 = arith.constant 256 : i32
    %mul3A_111 = arith.muli %mul3A_109, %mul3A_110 : i32
    %add3A_112 = vector.broadcast %mul3A_111 : i32 to vector<16xi32>
    %add3A_113 = arith.addi %add3A_112, %min3A_101 : vector<16xi32>
    %swap3A_114 = arith.constant 16 : index
    %swap3A_115 = tpu.vector_load %arg8[%swap3A_114] {strides = array<i32>} : memref<96xi32, #tpu.memory_space<vmem>>, vector<16xi32>,
    tpu.vector_store %arg8[%swap3A_114], %add3A_113 {strides = array<i32>} : memref<96xi32, #tpu.memory_space<vmem>>, vector<16xi32>,
    %mul3A_116 = arith.constant 2 : i32
    %mul3A_117 = arith.muli %add3A_4, %mul3A_116 : i32
    %add3A_118 = arith.constant 1 : i32
    %add3A_119 = arith.addi %mul3A_117, %add3A_118 : i32
    %mul3A_120 = arith.constant 256 : i32
    %mul3A_121 = arith.muli %add3A_119, %mul3A_120 : i32
    %add3A_122 = vector.broadcast %mul3A_121 : i32 to vector<16xi32>
    %add3A_123 = arith.addi %add3A_122, %min3A_101 : vector<16xi32>
    %swap3A_124 = arith.constant 64 : index
    %swap3A_125 = tpu.vector_load %arg8[%swap3A_124] {strides = array<i32>} : memref<96xi32, #tpu.memory_space<vmem>>, vector<16xi32>,
    tpu.vector_store %arg8[%swap3A_124], %add3A_123 {strides = array<i32>} : memref<96xi32, #tpu.memory_space<vmem>>, vector<16xi32>,
    %add3A_126 = vector.broadcast %convert_element_type3A_54 : i32 to vector<16xi32>
    %add3A_127 = arith.addi %add3A_126, %iota3A : vector<16xi32>
    %add3A_128 = arith.constant 32 : i32
    %add3A_129 = vector.broadcast %add3A_128 : i32 to vector<16xi32>
    %add3A_130 = arith.addi %add3A_127, %add3A_129 : vector<16xi32>
    %min3A_131 = arith.constant 255 : i32
    %min3A_132 = vector.broadcast %min3A_131 : i32 to vector<16xi32>
    %min3A_133 = arith.minsi %add3A_130, %min3A_132 : vector<16xi32>
    %mul3A_134 = arith.constant 256 : i32
    %mul3A_135 = arith.muli %add3A_4, %mul3A_134 : i32
    %add3A_136 = vector.broadcast %mul3A_135 : i32 to vector<16xi32>
    %add3A_137 = arith.addi %add3A_136, %min3A_133 : vector<16xi32>
    %swap3A_138 = arith.constant 32 : index
    %swap3A_139 = tpu.vector_load %arg7[%swap3A_138] {strides = array<i32>} : memref<48xi32, #tpu.memory_space<vmem>>, vector<16xi32>,
    tpu.vector_store %arg7[%swap3A_138], %add3A_137 {strides = array<i32>} : memref<48xi32, #tpu.memory_space<vmem>>, vector<16xi32>,
    %mul3A_140 = arith.constant 2 : i32
    %mul3A_141 = arith.muli %add3A_4, %mul3A_140 : i32
    %mul3A_142 = arith.constant 256 : i32
    %mul3A_143 = arith.muli %mul3A_141, %mul3A_142 : i32
    %add3A_144 = vector.broadcast %mul3A_143 : i32 to vector<16xi32>
    %add3A_145 = arith.addi %add3A_144, %min3A_133 : vector<16xi32>
    %swap3A_146 = arith.constant 32 : index
    %swap3A_147 = tpu.vector_load %arg8[%swap3A_146] {strides = array<i32>} : memref<96xi32, #tpu.memory_space<vmem>>, vector<16xi32>,
    tpu.vector_store %arg8[%swap3A_146], %add3A_145 {strides = array<i32>} : memref<96xi32, #tpu.memory_space<vmem>>, vector<16xi32>,
    %mul3A_148 = arith.constant 2 : i32
    %mul3A_149 = arith.muli %add3A_4, %mul3A_148 : i32
    %add3A_150 = arith.constant 1 : i32
    %add3A_151 = arith.addi %mul3A_149, %add3A_150 : i32
    %mul3A_152 = arith.constant 256 : i32
    %mul3A_153 = arith.muli %add3A_151, %mul3A_152 : i32
    %add3A_154 = vector.broadcast %mul3A_153 : i32 to vector<16xi32>
    %add3A_155 = arith.addi %add3A_154, %min3A_133 : vector<16xi32>
    %swap3A_156 = arith.constant 80 : index
    %swap3A_157 = tpu.vector_load %arg8[%swap3A_156] {strides = array<i32>} : memref<96xi32, #tpu.memory_space<vmem>>, vector<16xi32>,
    tpu.vector_store %arg8[%swap3A_156], %add3A_155 {strides = array<i32>} : memref<96xi32, #tpu.memory_space<vmem>>, vector<16xi32>,
    %dma_start3A = arith.constant 0 : i32
    %dma_start3A_158 = tpu.memref_slice %arg7[%dma_start3A] : memref<48xi32, #tpu.memory_space<vmem>> -> memref<40xi32, #tpu.memory_space<vmem>>
    %dma_start3A_159 = arith.constant 0 : i32
    %dma_start3A_160 = arith.constant 0 : i32
    %dma_start3A_161 = tpu.memref_slice %arg2[%dma_start3A_159, %dma_start3A_160] : memref<16384x256xf32, #tpu.memory_space<hbm>> -> memref<16384x256xf32, #tpu.memory_space<hbm>>
    tpu.enqueue_indirect_dma source(%dma_start3A_161 : memref<16384x256xf32, #tpu.memory_space<hbm>>) target(%arg11 : memref<40x256xf32, #tpu.memory_space<vmem>>) offsets(%dma_start3A_158 : memref<40xi32, #tpu.memory_space<vmem>>) semaphore(%arg16 : memref<!tpu.dma_semaphore, #tpu.memory_space<semaphore_mem>>)
    %dma_start3A_162 = arith.constant 0 : i32
    %dma_start3A_163 = arith.constant 0 : i32
    %dma_start3A_164 = tpu.memref_slice %arg12[%dma_start3A_162, %dma_start3A_163] : memref<80x256xf32, #tpu.memory_space<vmem>> -> memref<40x256xf32, #tpu.memory_space<vmem>>
    %dma_start3A_165 = arith.constant 0 : i32
    %dma_start3A_166 = tpu.memref_slice %arg8[%dma_start3A_165] : memref<96xi32, #tpu.memory_space<vmem>> -> memref<40xi32, #tpu.memory_space<vmem>>
    %dma_start3A_167 = arith.constant 0 : i32
    %dma_start3A_168 = arith.constant 0 : i32
    %dma_start3A_169 = tpu.memref_slice %arg3[%dma_start3A_167, %dma_start3A_168] : memref<32768x256xf32, #tpu.memory_space<hbm>> -> memref<32768x256xf32, #tpu.memory_space<hbm>>
    tpu.enqueue_indirect_dma source(%dma_start3A_169 : memref<32768x256xf32, #tpu.memory_space<hbm>>) target(%dma_start3A_164 : memref<40x256xf32, #tpu.memory_space<vmem>>) offsets(%dma_start3A_166 : memref<40xi32, #tpu.memory_space<vmem>>) semaphore(%arg16 : memref<!tpu.dma_semaphore, #tpu.memory_space<semaphore_mem>>)
    %dma_start3A_170 = arith.constant 40 : i32
    %dma_start3A_171 = arith.constant 0 : i32
    %dma_start3A_172 = tpu.memref_slice %arg12[%dma_start3A_170, %dma_start3A_171] : memref<80x256xf32, #tpu.memory_space<vmem>> -> memref<40x256xf32, #tpu.memory_space<vmem>>
    %dma_start3A_173 = arith.constant 48 : i32
    %dma_start3A_174 = tpu.memref_slice %arg8[%dma_start3A_173] : memref<96xi32, #tpu.memory_space<vmem>> -> memref<40xi32, #tpu.memory_space<vmem>>
    %dma_start3A_175 = arith.constant 0 : i32
    %dma_start3A_176 = arith.constant 0 : i32
    %dma_start3A_177 = tpu.memref_slice %arg3[%dma_start3A_175, %dma_start3A_176] : memref<32768x256xf32, #tpu.memory_space<hbm>> -> memref<32768x256xf32, #tpu.memory_space<hbm>>
    tpu.enqueue_indirect_dma source(%dma_start3A_177 : memref<32768x256xf32, #tpu.memory_space<hbm>>) target(%dma_start3A_172 : memref<40x256xf32, #tpu.memory_space<vmem>>) offsets(%dma_start3A_174 : memref<40xi32, #tpu.memory_space<vmem>>) semaphore(%arg16 : memref<!tpu.dma_semaphore, #tpu.memory_space<semaphore_mem>>)
    %mul3A_178 = arith.constant 2 : i32
    %mul3A_179 = arith.muli %add3A, %mul3A_178 : i32
    %add3A_180 = arith.constant 1 : i32
    %add3A_181 = arith.addi %mul3A_179, %add3A_180 : i32
    %jit3A_182 = arith.constant 16 : i32
    %div3A_183 = arith.divsi %add3A_181, %jit3A_182 : i32
    %sign3A_184 = arith.constant 0 : i32
    %sign3A_185 = arith.cmpi sgt, %add3A_181, %sign3A_184 : i32
    %sign3A_186 = arith.extui %sign3A_185 : i1 to i32
    %sign3A_187 = arith.constant 0 : i32
    %sign3A_188 = arith.cmpi slt, %add3A_181, %sign3A_187 : i32
    %sign3A_189 = arith.extui %sign3A_188 : i1 to i32
    %sign3A_190 = arith.subi %sign3A_186, %sign3A_189 : i32
    %sign3A_191 = arith.constant 0 : i32
    %sign3A_192 = arith.cmpi sgt, %jit3A_182, %sign3A_191 : i32
    %sign3A_193 = arith.extui %sign3A_192 : i1 to i32
    %sign3A_194 = arith.constant 0 : i32
    %sign3A_195 = arith.cmpi slt, %jit3A_182, %sign3A_194 : i32
    %sign3A_196 = arith.extui %sign3A_195 : i1 to i32
    %sign3A_197 = arith.subi %sign3A_193, %sign3A_196 : i32
    %ne3A_198 = arith.cmpi ne, %sign3A_190, %sign3A_197 : i32
    %rem3A_199 = arith.remsi %add3A_181, %jit3A_182 : i32
    %ne3A_200 = arith.constant 0 : i32
    %ne3A_201 = arith.cmpi ne, %rem3A_199, %ne3A_200 : i32
    %and3A_202 = arith.andi %ne3A_198, %ne3A_201 : i1
    %sub3A_203 = arith.constant 1 : i32
    %sub3A_204 = arith.subi %div3A_183, %sub3A_203 : i32
    %select_n3A_205 = arith.select %and3A_202, %sub3A_204, %div3A_183 : i32
    %mul3A_206 = arith.constant 16 : i32
    %mul3A_207 = arith.muli %select_n3A_205, %mul3A_206 : i32
    %sub3A_208 = arith.subi %add3A_181, %mul3A_207 : i32
    %mul3A_209 = arith.constant 16 : i32
    %mul3A_210 = arith.muli %select_n3A_205, %mul3A_209 : i32
    %get3A_211 = arith.constant 0 : i32
    %get3A_212 = arith.index_cast %get3A_211 : i32 to index
    %get3A_213 = arith.index_cast %mul3A_210 : i32 to index
    %get3A_214 = tpu.vector_load %arg6[%get3A_212, %get3A_213] {strides = array<i32>} : memref<2x64xf32, #tpu.memory_space<vmem>>, vector<16xf32>,
    %mul3A_215 = arith.constant 16 : i32
    %mul3A_216 = arith.muli %select_n3A_205, %mul3A_215 : i32
    %get3A_217 = arith.constant 1 : i32
    %get3A_218 = arith.index_cast %get3A_217 : i32 to index
    %get3A_219 = arith.index_cast %mul3A_216 : i32 to index
    %get3A_220 = tpu.vector_load %arg6[%get3A_218, %get3A_219] {strides = array<i32>} : memref<2x64xf32, #tpu.memory_space<vmem>>, vector<16xf32>,
    %eq3A_221 = vector.broadcast %sub3A_208 : i32 to vector<16xi32>
    %eq3A_222 = arith.cmpi eq, %iota3A, %eq3A_221 : vector<16xi32>
    %convert_element_type3A_223 = arith.extui %eq3A_222 : vector<16xi1> to vector<16xi32>
    %convert_element_type3A_224 = arith.sitofp %convert_element_type3A_223 : vector<16xi32> to vector<16xf32>
    %mul3A_225 = arith.mulf %get3A_214, %convert_element_type3A_224 : vector<16xf32>
    %reduce_sum3A_226 = arith.constant true
    %reduce_sum3A_227 = vector.broadcast %reduce_sum3A_226 : i1 to vector<16xi1>
    %reduce_sum3A_228 = tpu.scan <sum>, %mul3A_225 masked %reduce_sum3A_227 : vector<16xf32>, vector<16xi1> -> vector<16xf32>
    %reduce_sum3A_229 = vector.extract %reduce_sum3A_228[15] : f32 from vector<16xf32>
    %mul3A_230 = arith.constant 2.550000e+02 : f32
    %mul3A_231 = arith.mulf %reduce_sum3A_229, %mul3A_230 : f32
    %mul3A_232 = arith.mulf %get3A_220, %convert_element_type3A_224 : vector<16xf32>
    %reduce_sum3A_233 = arith.constant true
    %reduce_sum3A_234 = vector.broadcast %reduce_sum3A_233 : i1 to vector<16xi1>
    %reduce_sum3A_235 = tpu.scan <sum>, %mul3A_232 masked %reduce_sum3A_234 : vector<16xf32>, vector<16xi1> -> vector<16xf32>
    %reduce_sum3A_236 = vector.extract %reduce_sum3A_235[15] : f32 from vector<16xf32>
    %mul3A_237 = arith.constant 2.550000e+02 : f32
    %mul3A_238 = arith.mulf %reduce_sum3A_236, %mul3A_237 : f32
    %sub3A_239 = arith.constant 1.600000e+01 : f32
    %sub3A_240 = arith.subf %mul3A_231, %sub3A_239 : f32
    %max3A_241 = arith.constant 0.000000e+00 : f32
    %max3A_242 = arith.maximumf %sub3A_240, %max3A_241 : f32
    %convert_element_type3A_243 = arith.fptosi %max3A_242 : f32 to i32
    %sub3A_244 = arith.constant 1.600000e+01 : f32
    %sub3A_245 = arith.subf %mul3A_238, %sub3A_244 : f32
    %max3A_246 = arith.constant 0.000000e+00 : f32
    %max3A_247 = arith.maximumf %sub3A_245, %max3A_246 : f32
    %convert_element_type3A_248 = arith.fptosi %max3A_247 : f32 to i32
    %shift_right_arithmetic3A_249 = arith.constant 4 : i32
    %shift_right_arithmetic3A_250 = arith.shrsi %convert_element_type3A_248, %shift_right_arithmetic3A_249 : i32
    %shift_left3A_251 = arith.constant 4 : i32
    %shift_left3A_252 = arith.shli %shift_right_arithmetic3A_250, %shift_left3A_251 : i32
    %min3A_253 = arith.constant 208 : i32
    %min3A_254 = arith.minsi %shift_left3A_252, %min3A_253 : i32
    %add3A_255 = vector.broadcast %convert_element_type3A_243 : i32 to vector<16xi32>
    %add3A_256 = arith.addi %add3A_255, %iota3A : vector<16xi32>
    %add3A_257 = arith.constant 0 : i32
    %add3A_258 = vector.broadcast %add3A_257 : i32 to vector<16xi32>
    %add3A_259 = arith.addi %add3A_256, %add3A_258 : vector<16xi32>
    %min3A_260 = arith.constant 255 : i32
    %min3A_261 = vector.broadcast %min3A_260 : i32 to vector<16xi32>
    %min3A_262 = arith.minsi %add3A_259, %min3A_261 : vector<16xi32>
    %mul3A_263 = arith.constant 256 : i32
    %mul3A_264 = arith.muli %add3A_181, %mul3A_263 : i32
    %add3A_265 = vector.broadcast %mul3A_264 : i32 to vector<16xi32>
    %add3A_266 = arith.addi %add3A_265, %min3A_262 : vector<16xi32>
    %swap3A_267 = arith.constant 0 : index
    %swap3A_268 = tpu.vector_load %arg9[%swap3A_267] {strides = array<i32>} : memref<48xi32, #tpu.memory_space<vmem>>, vector<16xi32>,
    tpu.vector_store %arg9[%swap3A_267], %add3A_266 {strides = array<i32>} : memref<48xi32, #tpu.memory_space<vmem>>, vector<16xi32>,
    %mul3A_269 = arith.constant 2 : i32
    %mul3A_270 = arith.muli %add3A_181, %mul3A_269 : i32
    %mul3A_271 = arith.constant 256 : i32
    %mul3A_272 = arith.muli %mul3A_270, %mul3A_271 : i32
    %add3A_273 = vector.broadcast %mul3A_272 : i32 to vector<16xi32>
    %add3A_274 = arith.addi %add3A_273, %min3A_262 : vector<16xi32>
    %swap3A_275 = arith.constant 0 : index
    %swap3A_276 = tpu.vector_load %arg10[%swap3A_275] {strides = array<i32>} : memref<96xi32, #tpu.memory_space<vmem>>, vector<16xi32>,
    tpu.vector_store %arg10[%swap3A_275], %add3A_274 {strides = array<i32>} : memref<96xi32, #tpu.memory_space<vmem>>, vector<16xi32>,
    %mul3A_277 = arith.constant 2 : i32
    %mul3A_278 = arith.muli %add3A_181, %mul3A_277 : i32
    %add3A_279 = arith.constant 1 : i32
    %add3A_280 = arith.addi %mul3A_278, %add3A_279 : i32
    %mul3A_281 = arith.constant 256 : i32
    %mul3A_282 = arith.muli %add3A_280, %mul3A_281 : i32
    %add3A_283 = vector.broadcast %mul3A_282 : i32 to vector<16xi32>
    %add3A_284 = arith.addi %add3A_283, %min3A_262 : vector<16xi32>
    %swap3A_285 = arith.constant 48 : index
    %swap3A_286 = tpu.vector_load %arg10[%swap3A_285] {strides = array<i32>} : memref<96xi32, #tpu.memory_space<vmem>>, vector<16xi32>,
    tpu.vector_store %arg10[%swap3A_285], %add3A_284 {strides = array<i32>} : memref<96xi32, #tpu.memory_space<vmem>>, vector<16xi32>,
    %add3A_287 = vector.broadcast %convert_element_type3A_243 : i32 to vector<16xi32>
    %add3A_288 = arith.addi %add3A_287, %iota3A : vector<16xi32>
    %add3A_289 = arith.constant 16 : i32
    %add3A_290 = vector.broadcast %add3A_289 : i32 to vector<16xi32>
    %add3A_291 = arith.addi %add3A_288, %add3A_290 : vector<16xi32>
    %min3A_292 = arith.constant 255 : i32
    %min3A_293 = vector.broadcast %min3A_292 : i32 to vector<16xi32>
    %min3A_294 = arith.minsi %add3A_291, %min3A_293 : vector<16xi32>
    %mul3A_295 = arith.constant 256 : i32
    %mul3A_296 = arith.muli %add3A_181, %mul3A_295 : i32
    %add3A_297 = vector.broadcast %mul3A_296 : i32 to vector<16xi32>
    %add3A_298 = arith.addi %add3A_297, %min3A_294 : vector<16xi32>
    %swap3A_299 = arith.constant 16 : index
    %swap3A_300 = tpu.vector_load %arg9[%swap3A_299] {strides = array<i32>} : memref<48xi32, #tpu.memory_space<vmem>>, vector<16xi32>,
    tpu.vector_store %arg9[%swap3A_299], %add3A_298 {strides = array<i32>} : memref<48xi32, #tpu.memory_space<vmem>>, vector<16xi32>,
    %mul3A_301 = arith.constant 2 : i32
    %mul3A_302 = arith.muli %add3A_181, %mul3A_301 : i32
    %mul3A_303 = arith.constant 256 : i32
    %mul3A_304 = arith.muli %mul3A_302, %mul3A_303 : i32
    %add3A_305 = vector.broadcast %mul3A_304 : i32 to vector<16xi32>
    %add3A_306 = arith.addi %add3A_305, %min3A_294 : vector<16xi32>
    %swap3A_307 = arith.constant 16 : index
    %swap3A_308 = tpu.vector_load %arg10[%swap3A_307] {strides = array<i32>} : memref<96xi32, #tpu.memory_space<vmem>>, vector<16xi32>,
    tpu.vector_store %arg10[%swap3A_307], %add3A_306 {strides = array<i32>} : memref<96xi32, #tpu.memory_space<vmem>>, vector<16xi32>,
    %mul3A_309 = arith.constant 2 : i32
    %mul3A_310 = arith.muli %add3A_181, %mul3A_309 : i32
    %add3A_311 = arith.constant 1 : i32
    %add3A_312 = arith.addi %mul3A_310, %add3A_311 : i32
    %mul3A_313 = arith.constant 256 : i32
    %mul3A_314 = arith.muli %add3A_312, %mul3A_313 : i32
    %add3A_315 = vector.broadcast %mul3A_314 : i32 to vector<16xi32>
    %add3A_316 = arith.addi %add3A_315, %min3A_294 : vector<16xi32>
    %swap3A_317 = arith.constant 64 : index
    %swap3A_318 = tpu.vector_load %arg10[%swap3A_317] {strides = array<i32>} : memref<96xi32, #tpu.memory_space<vmem>>, vector<16xi32>,
    tpu.vector_store %arg10[%swap3A_317], %add3A_316 {strides = array<i32>} : memref<96xi32, #tpu.memory_space<vmem>>, vector<16xi32>,
    %add3A_319 = vector.broadcast %convert_element_type3A_243 : i32 to vector<16xi32>
    %add3A_320 = arith.addi %add3A_319, %iota3A : vector<16xi32>
    %add3A_321 = arith.constant 32 : i32
    %add3A_322 = vector.broadcast %add3A_321 : i32 to vector<16xi32>
    %add3A_323 = arith.addi %add3A_320, %add3A_322 : vector<16xi32>
    %min3A_324 = arith.constant 255 : i32
    %min3A_325 = vector.broadcast %min3A_324 : i32 to vector<16xi32>
    %min3A_326 = arith.minsi %add3A_323, %min3A_325 : vector<16xi32>
    %mul3A_327 = arith.constant 256 : i32
    %mul3A_328 = arith.muli %add3A_181, %mul3A_327 : i32
    %add3A_329 = vector.broadcast %mul3A_328 : i32 to vector<16xi32>
    %add3A_330 = arith.addi %add3A_329, %min3A_326 : vector<16xi32>
    %swap3A_331 = arith.constant 32 : index
    %swap3A_332 = tpu.vector_load %arg9[%swap3A_331] {strides = array<i32>} : memref<48xi32, #tpu.memory_space<vmem>>, vector<16xi32>,
    tpu.vector_store %arg9[%swap3A_331], %add3A_330 {strides = array<i32>} : memref<48xi32, #tpu.memory_space<vmem>>, vector<16xi32>,
    %mul3A_333 = arith.constant 2 : i32
    %mul3A_334 = arith.muli %add3A_181, %mul3A_333 : i32
    %mul3A_335 = arith.constant 256 : i32
    %mul3A_336 = arith.muli %mul3A_334, %mul3A_335 : i32
    %add3A_337 = vector.broadcast %mul3A_336 : i32 to vector<16xi32>
    %add3A_338 = arith.addi %add3A_337, %min3A_326 : vector<16xi32>
    %swap3A_339 = arith.constant 32 : index
    %swap3A_340 = tpu.vector_load %arg10[%swap3A_339] {strides = array<i32>} : memref<96xi32, #tpu.memory_space<vmem>>, vector<16xi32>,
    tpu.vector_store %arg10[%swap3A_339], %add3A_338 {strides = array<i32>} : memref<96xi32, #tpu.memory_space<vmem>>, vector<16xi32>,
    %mul3A_341 = arith.constant 2 : i32
    %mul3A_342 = arith.muli %add3A_181, %mul3A_341 : i32
    %add3A_343 = arith.constant 1 : i32
    %add3A_344 = arith.addi %mul3A_342, %add3A_343 : i32
    %mul3A_345 = arith.constant 256 : i32
    %mul3A_346 = arith.muli %add3A_344, %mul3A_345 : i32
    %add3A_347 = vector.broadcast %mul3A_346 : i32 to vector<16xi32>
    %add3A_348 = arith.addi %add3A_347, %min3A_326 : vector<16xi32>
    %swap3A_349 = arith.constant 80 : index
    %swap3A_350 = tpu.vector_load %arg10[%swap3A_349] {strides = array<i32>} : memref<96xi32, #tpu.memory_space<vmem>>, vector<16xi32>,
    tpu.vector_store %arg10[%swap3A_349], %add3A_348 {strides = array<i32>} : memref<96xi32, #tpu.memory_space<vmem>>, vector<16xi32>,
    %dma_start3A_351 = arith.constant 0 : i32
    %dma_start3A_352 = tpu.memref_slice %arg9[%dma_start3A_351] : memref<48xi32, #tpu.memory_space<vmem>> -> memref<40xi32, #tpu.memory_space<vmem>>
    %dma_start3A_353 = arith.constant 0 : i32
    %dma_start3A_354 = arith.constant 0 : i32
    %dma_start3A_355 = tpu.memref_slice %arg2[%dma_start3A_353, %dma_start3A_354] : memref<16384x256xf32, #tpu.memory_space<hbm>> -> memref<16384x256xf32, #tpu.memory_space<hbm>>
    tpu.enqueue_indirect_dma source(%dma_start3A_355 : memref<16384x256xf32, #tpu.memory_space<hbm>>) target(%arg13 : memref<40x256xf32, #tpu.memory_space<vmem>>) offsets(%dma_start3A_352 : memref<40xi32, #tpu.memory_space<vmem>>) semaphore(%arg16 : memref<!tpu.dma_semaphore, #tpu.memory_space<semaphore_mem>>)
    %dma_start3A_356 = arith.constant 0 : i32
    %dma_start3A_357 = arith.constant 0 : i32
    %dma_start3A_358 = tpu.memref_slice %arg14[%dma_start3A_356, %dma_start3A_357] : memref<80x256xf32, #tpu.memory_space<vmem>> -> memref<40x256xf32, #tpu.memory_space<vmem>>
    %dma_start3A_359 = arith.constant 0 : i32
    %dma_start3A_360 = tpu.memref_slice %arg10[%dma_start3A_359] : memref<96xi32, #tpu.memory_space<vmem>> -> memref<40xi32, #tpu.memory_space<vmem>>
    %dma_start3A_361 = arith.constant 0 : i32
    %dma_start3A_362 = arith.constant 0 : i32
    %dma_start3A_363 = tpu.memref_slice %arg3[%dma_start3A_361, %dma_start3A_362] : memref<32768x256xf32, #tpu.memory_space<hbm>> -> memref<32768x256xf32, #tpu.memory_space<hbm>>
    tpu.enqueue_indirect_dma source(%dma_start3A_363 : memref<32768x256xf32, #tpu.memory_space<hbm>>) target(%dma_start3A_358 : memref<40x256xf32, #tpu.memory_space<vmem>>) offsets(%dma_start3A_360 : memref<40xi32, #tpu.memory_space<vmem>>) semaphore(%arg16 : memref<!tpu.dma_semaphore, #tpu.memory_space<semaphore_mem>>)
    %dma_start3A_364 = arith.constant 40 : i32
    %dma_start3A_365 = arith.constant 0 : i32
    %dma_start3A_366 = tpu.memref_slice %arg14[%dma_start3A_364, %dma_start3A_365] : memref<80x256xf32, #tpu.memory_space<vmem>> -> memref<40x256xf32, #tpu.memory_space<vmem>>
    %dma_start3A_367 = arith.constant 48 : i32
    %dma_start3A_368 = tpu.memref_slice %arg10[%dma_start3A_367] : memref<96xi32, #tpu.memory_space<vmem>> -> memref<40xi32, #tpu.memory_space<vmem>>
    %dma_start3A_369 = arith.constant 0 : i32
    %dma_start3A_370 = arith.constant 0 : i32
    %dma_start3A_371 = tpu.memref_slice %arg3[%dma_start3A_369, %dma_start3A_370] : memref<32768x256xf32, #tpu.memory_space<hbm>> -> memref<32768x256xf32, #tpu.memory_space<hbm>>
    tpu.enqueue_indirect_dma source(%dma_start3A_371 : memref<32768x256xf32, #tpu.memory_space<hbm>>) target(%dma_start3A_366 : memref<40x256xf32, #tpu.memory_space<vmem>>) offsets(%dma_start3A_368 : memref<40xi32, #tpu.memory_space<vmem>>) semaphore(%arg16 : memref<!tpu.dma_semaphore, #tpu.memory_space<semaphore_mem>>)
    %broadcast_in_dim3A = arith.constant 0.000000e+00 : f32
    %broadcast_in_dim3A_372 = vector.broadcast %broadcast_in_dim3A : f32 to vector<16xf32>
    %broadcast_in_dim3A_373 = arith.constant 0.000000e+00 : f32
    %broadcast_in_dim3A_374 = vector.broadcast %broadcast_in_dim3A_373 : f32 to vector<16xf32>
    %dma_wait3A = arith.constant 0 : i32
    %dma_wait3A_375 = tpu.memref_slice %arg7[%dma_wait3A] : memref<48xi32, #tpu.memory_space<vmem>> -> memref<40xi32, #tpu.memory_space<vmem>>
    %dma_wait3A_376 = arith.constant 0 : i32
    %dma_wait3A_377 = arith.constant 0 : i32
    %dma_wait3A_378 = tpu.memref_slice %arg2[%dma_wait3A_376, %dma_wait3A_377] : memref<16384x256xf32, #tpu.memory_space<hbm>> -> memref<16384x256xf32, #tpu.memory_space<hbm>>
    tpu.wait_indirect_dma semaphore(%arg16 : memref<!tpu.dma_semaphore, #tpu.memory_space<semaphore_mem>>) src(%dma_wait3A_378 : memref<16384x256xf32, #tpu.memory_space<hbm>>) dst(%arg11 : memref<40x256xf32, #tpu.memory_space<vmem>>)
    %dma_wait3A_379 = arith.constant 0 : i32
    %dma_wait3A_380 = arith.constant 0 : i32
    %dma_wait3A_381 = tpu.memref_slice %arg12[%dma_wait3A_379, %dma_wait3A_380] : memref<80x256xf32, #tpu.memory_space<vmem>> -> memref<40x256xf32, #tpu.memory_space<vmem>>
    %dma_wait3A_382 = arith.constant 0 : i32
    %dma_wait3A_383 = tpu.memref_slice %arg8[%dma_wait3A_382] : memref<96xi32, #tpu.memory_space<vmem>> -> memref<40xi32, #tpu.memory_space<vmem>>
    %dma_wait3A_384 = arith.constant 0 : i32
    %dma_wait3A_385 = arith.constant 0 : i32
    %dma_wait3A_386 = tpu.memref_slice %arg3[%dma_wait3A_384, %dma_wait3A_385] : memref<32768x256xf32, #tpu.memory_space<hbm>> -> memref<32768x256xf32, #tpu.memory_space<hbm>>
    tpu.wait_indirect_dma semaphore(%arg16 : memref<!tpu.dma_semaphore, #tpu.memory_space<semaphore_mem>>) src(%dma_wait3A_386 : memref<32768x256xf32, #tpu.memory_space<hbm>>) dst(%dma_wait3A_381 : memref<40x256xf32, #tpu.memory_space<vmem>>)
    %dma_wait3A_387 = arith.constant 40 : i32
    %dma_wait3A_388 = arith.constant 0 : i32
    %dma_wait3A_389 = tpu.memref_slice %arg12[%dma_wait3A_387, %dma_wait3A_388] : memref<80x256xf32, #tpu.memory_space<vmem>> -> memref<40x256xf32, #tpu.memory_space<vmem>>
    %dma_wait3A_390 = arith.constant 48 : i32
    %dma_wait3A_391 = tpu.memref_slice %arg8[%dma_wait3A_390] : memref<96xi32, #tpu.memory_space<vmem>> -> memref<40xi32, #tpu.memory_space<vmem>>
    %dma_wait3A_392 = arith.constant 0 : i32
    %dma_wait3A_393 = arith.constant 0 : i32
    %dma_wait3A_394 = tpu.memref_slice %arg3[%dma_wait3A_392, %dma_wait3A_393] : memref<32768x256xf32, #tpu.memory_space<hbm>> -> memref<32768x256xf32, #tpu.memory_space<hbm>>
    tpu.wait_indirect_dma semaphore(%arg16 : memref<!tpu.dma_semaphore, #tpu.memory_space<semaphore_mem>>) src(%dma_wait3A_394 : memref<32768x256xf32, #tpu.memory_space<hbm>>) dst(%dma_wait3A_389 : memref<40x256xf32, #tpu.memory_space<vmem>>)
    %add3A_395 = arith.constant 0 : i32
    %add3A_396 = arith.addi %min3A_62, %add3A_395 : i32
    %convert_element_type3A_397 = arith.sitofp %add3A_396 : i32 to f32
    %add3A_398 = vector.broadcast %convert_element_type3A_397 : f32 to vector<16xf32>
    %add3A_399 = arith.addf %add3A_398, %convert_element_type3A : vector<16xf32>
    %sub3A_400 = vector.broadcast %mul3A_50 : f32 to vector<16xf32>
    %sub3A_401 = arith.subf %sub3A_400, %add3A_399 : vector<16xf32>
    %abs3A = math.absf %sub3A_401 : vector<16xf32>
    %le3A = arith.constant 1.600000e+01 : f32
    %le3A_402 = vector.broadcast %le3A : f32 to vector<16xf32>
    %le3A_403 = arith.cmpf ole, %abs3A, %le3A_402 : vector<16xf32>
    %add3A_404 = arith.constant 16 : i32
    %add3A_405 = arith.addi %min3A_62, %add3A_404 : i32
    %convert_element_type3A_406 = arith.sitofp %add3A_405 : i32 to f32
    %add3A_407 = vector.broadcast %convert_element_type3A_406 : f32 to vector<16xf32>
    %add3A_408 = arith.addf %add3A_407, %convert_element_type3A : vector<16xf32>
    %sub3A_409 = vector.broadcast %mul3A_50 : f32 to vector<16xf32>
    %sub3A_410 = arith.subf %sub3A_409, %add3A_408 : vector<16xf32>
    %abs3A_411 = math.absf %sub3A_410 : vector<16xf32>
    %le3A_412 = arith.constant 1.600000e+01 : f32
    %le3A_413 = vector.broadcast %le3A_412 : f32 to vector<16xf32>
    %le3A_414 = arith.cmpf ole, %abs3A_411, %le3A_413 : vector<16xf32>
    %add3A_415 = arith.constant 32 : i32
    %add3A_416 = arith.addi %min3A_62, %add3A_415 : i32
    %convert_element_type3A_417 = arith.sitofp %add3A_416 : i32 to f32
    %add3A_418 = vector.broadcast %convert_element_type3A_417 : f32 to vector<16xf32>
    %add3A_419 = arith.addf %add3A_418, %convert_element_type3A : vector<16xf32>
    %sub3A_420 = vector.broadcast %mul3A_50 : f32 to vector<16xf32>
    %sub3A_421 = arith.subf %sub3A_420, %add3A_419 : vector<16xf32>
    %abs3A_422 = math.absf %sub3A_421 : vector<16xf32>
    %le3A_423 = arith.constant 1.600000e+01 : f32
    %le3A_424 = vector.broadcast %le3A_423 : f32 to vector<16xf32>
    %le3A_425 = arith.cmpf ole, %abs3A_422, %le3A_424 : vector<16xf32>
    %convert_element_type3A_426 = arith.sitofp %convert_element_type3A_54 : i32 to f32
    %broadcast_in_dim3A_427 = arith.constant 0.000000e+00 : f32
    %broadcast_in_dim3A_428 = vector.broadcast %broadcast_in_dim3A_427 : f32 to vector<16xf32>
    %broadcast_in_dim3A_429 = arith.constant 0.000000e+00 : f32
    %broadcast_in_dim3A_430 = vector.broadcast %broadcast_in_dim3A_429 : f32 to vector<16xf32>
    %scan3A = arith.constant 0 : i32
    %scan3A_431 = arith.constant 33 : i32
    %scan3A_432 = arith.addi %scan3A, %scan3A_431 : i32
    %scan3A_433 = arith.constant 1 : i32
    %scan3A_434:6 = scf.for %scan3A_517 = %scan3A to %scan3A_432 step %scan3A_433 iter_args(%scan3A_518 = %broadcast_in_dim3A_372, %scan3A_519 = %broadcast_in_dim3A_374, %scan3A_520 = %broadcast_in_dim3A_428, %scan3A_521 = %broadcast_in_dim3A_428, %scan3A_522 = %broadcast_in_dim3A_430, %scan3A_523 = %broadcast_in_dim3A_430) -> (vector<16xf32>, vector<16xf32>, vector<16xf32>, vector<16xf32>, vector<16xf32>, vector<16xf32>)  : i32 {
      %convert_element_type3A_524 = arith.sitofp %scan3A_517 : i32 to f32
      %add3A_525 = arith.addf %convert_element_type3A_426, %convert_element_type3A_524 : f32
      %sub3A_526 = arith.subf %mul3A_43, %add3A_525 : f32
      %abs3A_527 = math.absf %sub3A_526 : f32
      %le3A_528 = arith.constant 1.600000e+01 : f32
      %le3A_529 = arith.cmpf ole, %abs3A_527, %le3A_528 : f32
      %le3A_530 = arith.constant 2.550000e+02 : f32
      %le3A_531 = arith.cmpf ole, %add3A_525, %le3A_530 : f32
      %and3A_532 = arith.andi %le3A_529, %le3A_531 : i1
      %sub3A_533 = arith.subf %mul3A_43, %add3A_525 : f32
      %get3A_534 = arith.index_cast %scan3A_517 : i32 to index
      %get3A_535 = arith.index_cast %add3A_396 : i32 to index
      %get3A_536 = tpu.vector_load %arg11[%get3A_534, %get3A_535] {strides = array<i32>} : memref<40x256xf32, #tpu.memory_space<vmem>>, vector<16xf32>,
      %get3A_537 = arith.index_cast %scan3A_517 : i32 to index
      %get3A_538 = arith.index_cast %add3A_396 : i32 to index
      %get3A_539 = tpu.vector_load %arg12[%get3A_537, %get3A_538] {strides = array<i32>} : memref<80x256xf32, #tpu.memory_space<vmem>>, vector<16xf32>,
      %add3A_540 = arith.constant 40 : i32
      %add3A_541 = arith.addi %add3A_540, %scan3A_517 : i32
      %get3A_542 = arith.index_cast %add3A_541 : i32 to index
      %get3A_543 = arith.index_cast %add3A_396 : i32 to index
      %get3A_544 = tpu.vector_load %arg12[%get3A_542, %get3A_543] {strides = array<i32>} : memref<80x256xf32, #tpu.memory_space<vmem>>, vector<16xf32>,
      %and3A_545 = vector.broadcast %and3A_532 : i1 to vector<16xi1>
      %and3A_546 = arith.andi %le3A_403, %and3A_545 : vector<16xi1>
      %gt3A = arith.constant 0.000000e+00 : f32
      %gt3A_547 = vector.broadcast %gt3A : f32 to vector<16xf32>
      %gt3A_548 = arith.cmpf ogt, %get3A_536, %gt3A_547 : vector<16xf32>
      %and3A_549 = arith.andi %and3A_546, %gt3A_548 : vector<16xi1>
      %sub3A_550 = vector.broadcast %sub3A_533 : f32 to vector<16xf32>
      %sub3A_551 = arith.subf %get3A_539, %sub3A_550 : vector<16xf32>
      %abs3A_552 = math.absf %sub3A_551 : vector<16xf32>
      %lt3A = arith.constant 1.000000e+00 : f32
      %lt3A_553 = vector.broadcast %lt3A : f32 to vector<16xf32>
      %lt3A_554 = arith.cmpf olt, %abs3A_552, %lt3A_553 : vector<16xf32>
      %mul3A_555 = arith.constant 5.000000e-01 : f32
      %mul3A_556 = vector.broadcast %mul3A_555 : f32 to vector<16xf32>
      %mul3A_557 = arith.mulf %mul3A_556, %sub3A_551 : vector<16xf32>
      %mul3A_558 = arith.mulf %mul3A_557, %sub3A_551 : vector<16xf32>
      %sub3A_559 = arith.constant 5.000000e-01 : f32
      %sub3A_560 = vector.broadcast %sub3A_559 : f32 to vector<16xf32>
      %sub3A_561 = arith.subf %abs3A_552, %sub3A_560 : vector<16xf32>
      %select_n3A_562 = arith.select %lt3A_554, %mul3A_558, %sub3A_561 : vector<16xi1>, vector<16xf32>
      %sub3A_563 = arith.subf %get3A_544, %sub3A_401 : vector<16xf32>
      %abs3A_564 = math.absf %sub3A_563 : vector<16xf32>
      %lt3A_565 = arith.constant 1.000000e+00 : f32
      %lt3A_566 = vector.broadcast %lt3A_565 : f32 to vector<16xf32>
      %lt3A_567 = arith.cmpf olt, %abs3A_564, %lt3A_566 : vector<16xf32>
      %mul3A_568 = arith.constant 5.000000e-01 : f32
      %mul3A_569 = vector.broadcast %mul3A_568 : f32 to vector<16xf32>
      %mul3A_570 = arith.mulf %mul3A_569, %sub3A_563 : vector<16xf32>
      %mul3A_571 = arith.mulf %mul3A_570, %sub3A_563 : vector<16xf32>
      %sub3A_572 = arith.constant 5.000000e-01 : f32
      %sub3A_573 = vector.broadcast %sub3A_572 : f32 to vector<16xf32>
      %sub3A_574 = arith.subf %abs3A_564, %sub3A_573 : vector<16xf32>
      %select_n3A_575 = arith.select %lt3A_567, %mul3A_571, %sub3A_574 : vector<16xi1>, vector<16xf32>
      %add3A_576 = arith.addf %select_n3A_562, %select_n3A_575 : vector<16xf32>
      %jit3A_577 = arith.constant 0.000000e+00 : f32
      %broadcast_in_dim3A_578 = vector.broadcast %jit3A_577 : f32 to vector<16xf32>
      %select_n3A_579 = arith.select %and3A_549, %add3A_576, %broadcast_in_dim3A_578 : vector<16xi1>, vector<16xf32>
      %add3A_580 = arith.addf %scan3A_518, %select_n3A_579 : vector<16xf32>
      %jit3A_581 = arith.constant 1.000000e+00 : f32
      %jit3A_582 = arith.constant 0.000000e+00 : f32
      %broadcast_in_dim3A_583 = vector.broadcast %jit3A_581 : f32 to vector<16xf32>
      %broadcast_in_dim3A_584 = vector.broadcast %jit3A_582 : f32 to vector<16xf32>
      %select_n3A_585 = arith.select %and3A_549, %broadcast_in_dim3A_583, %broadcast_in_dim3A_584 : vector<16xi1>, vector<16xf32>
      %add3A_586 = arith.addf %scan3A_519, %select_n3A_585 : vector<16xf32>
      %get3A_587 = arith.index_cast %scan3A_517 : i32 to index
      %get3A_588 = arith.index_cast %add3A_405 : i32 to index
      %get3A_589 = tpu.vector_load %arg11[%get3A_587, %get3A_588] {strides = array<i32>} : memref<40x256xf32, #tpu.memory_space<vmem>>, vector<16xf32>,
      %get3A_590 = arith.index_cast %scan3A_517 : i32 to index
      %get3A_591 = arith.index_cast %add3A_405 : i32 to index
      %get3A_592 = tpu.vector_load %arg12[%get3A_590, %get3A_591] {strides = array<i32>} : memref<80x256xf32, #tpu.memory_space<vmem>>, vector<16xf32>,
      %add3A_593 = arith.constant 40 : i32
      %add3A_594 = arith.addi %add3A_593, %scan3A_517 : i32
      %get3A_595 = arith.index_cast %add3A_594 : i32 to index
      %get3A_596 = arith.index_cast %add3A_405 : i32 to index
      %get3A_597 = tpu.vector_load %arg12[%get3A_595, %get3A_596] {strides = array<i32>} : memref<80x256xf32, #tpu.memory_space<vmem>>, vector<16xf32>,
      %and3A_598 = vector.broadcast %and3A_532 : i1 to vector<16xi1>
      %and3A_599 = arith.andi %le3A_414, %and3A_598 : vector<16xi1>
      %gt3A_600 = arith.constant 0.000000e+00 : f32
      %gt3A_601 = vector.broadcast %gt3A_600 : f32 to vector<16xf32>
      %gt3A_602 = arith.cmpf ogt, %get3A_589, %gt3A_601 : vector<16xf32>
      %and3A_603 = arith.andi %and3A_599, %gt3A_602 : vector<16xi1>
      %sub3A_604 = vector.broadcast %sub3A_533 : f32 to vector<16xf32>
      %sub3A_605 = arith.subf %get3A_592, %sub3A_604 : vector<16xf32>
      %abs3A_606 = math.absf %sub3A_605 : vector<16xf32>
      %lt3A_607 = arith.constant 1.000000e+00 : f32
      %lt3A_608 = vector.broadcast %lt3A_607 : f32 to vector<16xf32>
      %lt3A_609 = arith.cmpf olt, %abs3A_606, %lt3A_608 : vector<16xf32>
      %mul3A_610 = arith.constant 5.000000e-01 : f32
      %mul3A_611 = vector.broadcast %mul3A_610 : f32 to vector<16xf32>
      %mul3A_612 = arith.mulf %mul3A_611, %sub3A_605 : vector<16xf32>
      %mul3A_613 = arith.mulf %mul3A_612, %sub3A_605 : vector<16xf32>
      %sub3A_614 = arith.constant 5.000000e-01 : f32
      %sub3A_615 = vector.broadcast %sub3A_614 : f32 to vector<16xf32>
      %sub3A_616 = arith.subf %abs3A_606, %sub3A_615 : vector<16xf32>
      %select_n3A_617 = arith.select %lt3A_609, %mul3A_613, %sub3A_616 : vector<16xi1>, vector<16xf32>
      %sub3A_618 = arith.subf %get3A_597, %sub3A_410 : vector<16xf32>
      %abs3A_619 = math.absf %sub3A_618 : vector<16xf32>
      %lt3A_620 = arith.constant 1.000000e+00 : f32
      %lt3A_621 = vector.broadcast %lt3A_620 : f32 to vector<16xf32>
      %lt3A_622 = arith.cmpf olt, %abs3A_619, %lt3A_621 : vector<16xf32>
      %mul3A_623 = arith.constant 5.000000e-01 : f32
      %mul3A_624 = vector.broadcast %mul3A_623 : f32 to vector<16xf32>
      %mul3A_625 = arith.mulf %mul3A_624, %sub3A_618 : vector<16xf32>
      %mul3A_626 = arith.mulf %mul3A_625, %sub3A_618 : vector<16xf32>
      %sub3A_627 = arith.constant 5.000000e-01 : f32
      %sub3A_628 = vector.broadcast %sub3A_627 : f32 to vector<16xf32>
      %sub3A_629 = arith.subf %abs3A_619, %sub3A_628 : vector<16xf32>
      %select_n3A_630 = arith.select %lt3A_622, %mul3A_626, %sub3A_629 : vector<16xi1>, vector<16xf32>
      %add3A_631 = arith.addf %select_n3A_617, %select_n3A_630 : vector<16xf32>
      %jit3A_632 = arith.constant 0.000000e+00 : f32
      %broadcast_in_dim3A_633 = vector.broadcast %jit3A_632 : f32 to vector<16xf32>
      %select_n3A_634 = arith.select %and3A_603, %add3A_631, %broadcast_in_dim3A_633 : vector<16xi1>, vector<16xf32>
      %add3A_635 = arith.addf %scan3A_520, %select_n3A_634 : vector<16xf32>
      %jit3A_636 = arith.constant 1.000000e+00 : f32
      %jit3A_637 = arith.constant 0.000000e+00 : f32
      %broadcast_in_dim3A_638 = vector.broadcast %jit3A_636 : f32 to vector<16xf32>
      %broadcast_in_dim3A_639 = vector.broadcast %jit3A_637 : f32 to vector<16xf32>
      %select_n3A_640 = arith.select %and3A_603, %broadcast_in_dim3A_638, %broadcast_in_dim3A_639 : vector<16xi1>, vector<16xf32>
      %add3A_641 = arith.addf %scan3A_521, %select_n3A_640 : vector<16xf32>
      %get3A_642 = arith.index_cast %scan3A_517 : i32 to index
      %get3A_643 = arith.index_cast %add3A_416 : i32 to index
      %get3A_644 = tpu.vector_load %arg11[%get3A_642, %get3A_643] {strides = array<i32>} : memref<40x256xf32, #tpu.memory_space<vmem>>, vector<16xf32>,
      %get3A_645 = arith.index_cast %scan3A_517 : i32 to index
      %get3A_646 = arith.index_cast %add3A_416 : i32 to index
      %get3A_647 = tpu.vector_load %arg12[%get3A_645, %get3A_646] {strides = array<i32>} : memref<80x256xf32, #tpu.memory_space<vmem>>, vector<16xf32>,
      %add3A_648 = arith.constant 40 : i32
      %add3A_649 = arith.addi %add3A_648, %scan3A_517 : i32
      %get3A_650 = arith.index_cast %add3A_649 : i32 to index
      %get3A_651 = arith.index_cast %add3A_416 : i32 to index
      %get3A_652 = tpu.vector_load %arg12[%get3A_650, %get3A_651] {strides = array<i32>} : memref<80x256xf32, #tpu.memory_space<vmem>>, vector<16xf32>,
      %and3A_653 = vector.broadcast %and3A_532 : i1 to vector<16xi1>
      %and3A_654 = arith.andi %le3A_425, %and3A_653 : vector<16xi1>
      %gt3A_655 = arith.constant 0.000000e+00 : f32
      %gt3A_656 = vector.broadcast %gt3A_655 : f32 to vector<16xf32>
      %gt3A_657 = arith.cmpf ogt, %get3A_644, %gt3A_656 : vector<16xf32>
      %and3A_658 = arith.andi %and3A_654, %gt3A_657 : vector<16xi1>
      %sub3A_659 = vector.broadcast %sub3A_533 : f32 to vector<16xf32>
      %sub3A_660 = arith.subf %get3A_647, %sub3A_659 : vector<16xf32>
      %abs3A_661 = math.absf %sub3A_660 : vector<16xf32>
      %lt3A_662 = arith.constant 1.000000e+00 : f32
      %lt3A_663 = vector.broadcast %lt3A_662 : f32 to vector<16xf32>
      %lt3A_664 = arith.cmpf olt, %abs3A_661, %lt3A_663 : vector<16xf32>
      %mul3A_665 = arith.constant 5.000000e-01 : f32
      %mul3A_666 = vector.broadcast %mul3A_665 : f32 to vector<16xf32>
      %mul3A_667 = arith.mulf %mul3A_666, %sub3A_660 : vector<16xf32>
      %mul3A_668 = arith.mulf %mul3A_667, %sub3A_660 : vector<16xf32>
      %sub3A_669 = arith.constant 5.000000e-01 : f32
      %sub3A_670 = vector.broadcast %sub3A_669 : f32 to vector<16xf32>
      %sub3A_671 = arith.subf %abs3A_661, %sub3A_670 : vector<16xf32>
      %select_n3A_672 = arith.select %lt3A_664, %mul3A_668, %sub3A_671 : vector<16xi1>, vector<16xf32>
      %sub3A_673 = arith.subf %get3A_652, %sub3A_421 : vector<16xf32>
      %abs3A_674 = math.absf %sub3A_673 : vector<16xf32>
      %lt3A_675 = arith.constant 1.000000e+00 : f32
      %lt3A_676 = vector.broadcast %lt3A_675 : f32 to vector<16xf32>
      %lt3A_677 = arith.cmpf olt, %abs3A_674, %lt3A_676 : vector<16xf32>
      %mul3A_678 = arith.constant 5.000000e-01 : f32
      %mul3A_679 = vector.broadcast %mul3A_678 : f32 to vector<16xf32>
      %mul3A_680 = arith.mulf %mul3A_679, %sub3A_673 : vector<16xf32>
      %mul3A_681 = arith.mulf %mul3A_680, %sub3A_673 : vector<16xf32>
      %sub3A_682 = arith.constant 5.000000e-01 : f32
      %sub3A_683 = vector.broadcast %sub3A_682 : f32 to vector<16xf32>
      %sub3A_684 = arith.subf %abs3A_674, %sub3A_683 : vector<16xf32>
      %select_n3A_685 = arith.select %lt3A_677, %mul3A_681, %sub3A_684 : vector<16xi1>, vector<16xf32>
      %add3A_686 = arith.addf %select_n3A_672, %select_n3A_685 : vector<16xf32>
      %jit3A_687 = arith.constant 0.000000e+00 : f32
      %broadcast_in_dim3A_688 = vector.broadcast %jit3A_687 : f32 to vector<16xf32>
      %select_n3A_689 = arith.select %and3A_658, %add3A_686, %broadcast_in_dim3A_688 : vector<16xi1>, vector<16xf32>
      %add3A_690 = arith.addf %scan3A_522, %select_n3A_689 : vector<16xf32>
      %jit3A_691 = arith.constant 1.000000e+00 : f32
      %jit3A_692 = arith.constant 0.000000e+00 : f32
      %broadcast_in_dim3A_693 = vector.broadcast %jit3A_691 : f32 to vector<16xf32>
      %broadcast_in_dim3A_694 = vector.broadcast %jit3A_692 : f32 to vector<16xf32>
      %select_n3A_695 = arith.select %and3A_658, %broadcast_in_dim3A_693, %broadcast_in_dim3A_694 : vector<16xi1>, vector<16xf32>
      %add3A_696 = arith.addf %scan3A_523, %select_n3A_695 : vector<16xf32>
      scf.yield %add3A_580, %add3A_586, %add3A_635, %add3A_641, %add3A_690, %add3A_696 : vector<16xf32>, vector<16xf32>, vector<16xf32>, vector<16xf32>, vector<16xf32>, vector<16xf32>
    }
    %scan3A_435 = arith.constant 33 : i32
    %add3A_436 = arith.addf %scan3A_434#0, %scan3A_434#2 : vector<16xf32>
    %add3A_437 = arith.addf %add3A_436, %scan3A_434#4 : vector<16xf32>
    %add3A_438 = arith.addf %scan3A_434#1, %scan3A_434#3 : vector<16xf32>
    %add3A_439 = arith.addf %add3A_438, %scan3A_434#5 : vector<16xf32>
    %dma_wait3A_440 = arith.constant 0 : i32
    %dma_wait3A_441 = tpu.memref_slice %arg9[%dma_wait3A_440] : memref<48xi32, #tpu.memory_space<vmem>> -> memref<40xi32, #tpu.memory_space<vmem>>
    %dma_wait3A_442 = arith.constant 0 : i32
    %dma_wait3A_443 = arith.constant 0 : i32
    %dma_wait3A_444 = tpu.memref_slice %arg2[%dma_wait3A_442, %dma_wait3A_443] : memref<16384x256xf32, #tpu.memory_space<hbm>> -> memref<16384x256xf32, #tpu.memory_space<hbm>>
    tpu.wait_indirect_dma semaphore(%arg16 : memref<!tpu.dma_semaphore, #tpu.memory_space<semaphore_mem>>) src(%dma_wait3A_444 : memref<16384x256xf32, #tpu.memory_space<hbm>>) dst(%arg13 : memref<40x256xf32, #tpu.memory_space<vmem>>)
    %dma_wait3A_445 = arith.constant 0 : i32
    %dma_wait3A_446 = arith.constant 0 : i32
    %dma_wait3A_447 = tpu.memref_slice %arg14[%dma_wait3A_445, %dma_wait3A_446] : memref<80x256xf32, #tpu.memory_space<vmem>> -> memref<40x256xf32, #tpu.memory_space<vmem>>
    %dma_wait3A_448 = arith.constant 0 : i32
    %dma_wait3A_449 = tpu.memref_slice %arg10[%dma_wait3A_448] : memref<96xi32, #tpu.memory_space<vmem>> -> memref<40xi32, #tpu.memory_space<vmem>>
    %dma_wait3A_450 = arith.constant 0 : i32
    %dma_wait3A_451 = arith.constant 0 : i32
    %dma_wait3A_452 = tpu.memref_slice %arg3[%dma_wait3A_450, %dma_wait3A_451] : memref<32768x256xf32, #tpu.memory_space<hbm>> -> memref<32768x256xf32, #tpu.memory_space<hbm>>
    tpu.wait_indirect_dma semaphore(%arg16 : memref<!tpu.dma_semaphore, #tpu.memory_space<semaphore_mem>>) src(%dma_wait3A_452 : memref<32768x256xf32, #tpu.memory_space<hbm>>) dst(%dma_wait3A_447 : memref<40x256xf32, #tpu.memory_space<vmem>>)
    %dma_wait3A_453 = arith.constant 40 : i32
    %dma_wait3A_454 = arith.constant 0 : i32
    %dma_wait3A_455 = tpu.memref_slice %arg14[%dma_wait3A_453, %dma_wait3A_454] : memref<80x256xf32, #tpu.memory_space<vmem>> -> memref<40x256xf32, #tpu.memory_space<vmem>>
    %dma_wait3A_456 = arith.constant 48 : i32
    %dma_wait3A_457 = tpu.memref_slice %arg10[%dma_wait3A_456] : memref<96xi32, #tpu.memory_space<vmem>> -> memref<40xi32, #tpu.memory_space<vmem>>
    %dma_wait3A_458 = arith.constant 0 : i32
    %dma_wait3A_459 = arith.constant 0 : i32
    %dma_wait3A_460 = tpu.memref_slice %arg3[%dma_wait3A_458, %dma_wait3A_459] : memref<32768x256xf32, #tpu.memory_space<hbm>> -> memref<32768x256xf32, #tpu.memory_space<hbm>>
    tpu.wait_indirect_dma semaphore(%arg16 : memref<!tpu.dma_semaphore, #tpu.memory_space<semaphore_mem>>) src(%dma_wait3A_460 : memref<32768x256xf32, #tpu.memory_space<hbm>>) dst(%dma_wait3A_455 : memref<40x256xf32, #tpu.memory_space<vmem>>)
    %add3A_461 = arith.constant 0 : i32
    %add3A_462 = arith.addi %min3A_254, %add3A_461 : i32
    %convert_element_type3A_463 = arith.sitofp %add3A_462 : i32 to f32
    %add3A_464 = vector.broadcast %convert_element_type3A_463 : f32 to vector<16xf32>
    %add3A_465 = arith.addf %add3A_464, %convert_element_type3A : vector<16xf32>
    %sub3A_466 = vector.broadcast %mul3A_238 : f32 to vector<16xf32>
    %sub3A_467 = arith.subf %sub3A_466, %add3A_465 : vector<16xf32>
    %abs3A_468 = math.absf %sub3A_467 : vector<16xf32>
    %le3A_469 = arith.constant 1.600000e+01 : f32
    %le3A_470 = vector.broadcast %le3A_469 : f32 to vector<16xf32>
    %le3A_471 = arith.cmpf ole, %abs3A_468, %le3A_470 : vector<16xf32>
    %add3A_472 = arith.constant 16 : i32
    %add3A_473 = arith.addi %min3A_254, %add3A_472 : i32
    %convert_element_type3A_474 = arith.sitofp %add3A_473 : i32 to f32
    %add3A_475 = vector.broadcast %convert_element_type3A_474 : f32 to vector<16xf32>
    %add3A_476 = arith.addf %add3A_475, %convert_element_type3A : vector<16xf32>
    %sub3A_477 = vector.broadcast %mul3A_238 : f32 to vector<16xf32>
    %sub3A_478 = arith.subf %sub3A_477, %add3A_476 : vector<16xf32>
    %abs3A_479 = math.absf %sub3A_478 : vector<16xf32>
    %le3A_480 = arith.constant 1.600000e+01 : f32
    %le3A_481 = vector.broadcast %le3A_480 : f32 to vector<16xf32>
    %le3A_482 = arith.cmpf ole, %abs3A_479, %le3A_481 : vector<16xf32>
    %add3A_483 = arith.constant 32 : i32
    %add3A_484 = arith.addi %min3A_254, %add3A_483 : i32
    %convert_element_type3A_485 = arith.sitofp %add3A_484 : i32 to f32
    %add3A_486 = vector.broadcast %convert_element_type3A_485 : f32 to vector<16xf32>
    %add3A_487 = arith.addf %add3A_486, %convert_element_type3A : vector<16xf32>
    %sub3A_488 = vector.broadcast %mul3A_238 : f32 to vector<16xf32>
    %sub3A_489 = arith.subf %sub3A_488, %add3A_487 : vector<16xf32>
    %abs3A_490 = math.absf %sub3A_489 : vector<16xf32>
    %le3A_491 = arith.constant 1.600000e+01 : f32
    %le3A_492 = vector.broadcast %le3A_491 : f32 to vector<16xf32>
    %le3A_493 = arith.cmpf ole, %abs3A_490, %le3A_492 : vector<16xf32>
    %convert_element_type3A_494 = arith.sitofp %convert_element_type3A_243 : i32 to f32
    %broadcast_in_dim3A_495 = arith.constant 0.000000e+00 : f32
    %broadcast_in_dim3A_496 = vector.broadcast %broadcast_in_dim3A_495 : f32 to vector<16xf32>
    %broadcast_in_dim3A_497 = arith.constant 0.000000e+00 : f32
    %broadcast_in_dim3A_498 = vector.broadcast %broadcast_in_dim3A_497 : f32 to vector<16xf32>
    %scan3A_499 = arith.constant 0 : i32
    %scan3A_500 = arith.constant 33 : i32
    %scan3A_501 = arith.addi %scan3A_499, %scan3A_500 : i32
    %scan3A_502 = arith.constant 1 : i32
    %scan3A_503:6 = scf.for %scan3A_517 = %scan3A_499 to %scan3A_501 step %scan3A_502 iter_args(%scan3A_518 = %add3A_437, %scan3A_519 = %add3A_439, %scan3A_520 = %broadcast_in_dim3A_496, %scan3A_521 = %broadcast_in_dim3A_496, %scan3A_522 = %broadcast_in_dim3A_498, %scan3A_523 = %broadcast_in_dim3A_498) -> (vector<16xf32>, vector<16xf32>, vector<16xf32>, vector<16xf32>, vector<16xf32>, vector<16xf32>)  : i32 {
      %convert_element_type3A_524 = arith.sitofp %scan3A_517 : i32 to f32
      %add3A_525 = arith.addf %convert_element_type3A_494, %convert_element_type3A_524 : f32
      %sub3A_526 = arith.subf %mul3A_231, %add3A_525 : f32
      %abs3A_527 = math.absf %sub3A_526 : f32
      %le3A_528 = arith.constant 1.600000e+01 : f32
      %le3A_529 = arith.cmpf ole, %abs3A_527, %le3A_528 : f32
      %le3A_530 = arith.constant 2.550000e+02 : f32
      %le3A_531 = arith.cmpf ole, %add3A_525, %le3A_530 : f32
      %and3A_532 = arith.andi %le3A_529, %le3A_531 : i1
      %sub3A_533 = arith.subf %mul3A_231, %add3A_525 : f32
      %get3A_534 = arith.index_cast %scan3A_517 : i32 to index
      %get3A_535 = arith.index_cast %add3A_462 : i32 to index
      %get3A_536 = tpu.vector_load %arg13[%get3A_534, %get3A_535] {strides = array<i32>} : memref<40x256xf32, #tpu.memory_space<vmem>>, vector<16xf32>,
      %get3A_537 = arith.index_cast %scan3A_517 : i32 to index
      %get3A_538 = arith.index_cast %add3A_462 : i32 to index
      %get3A_539 = tpu.vector_load %arg14[%get3A_537, %get3A_538] {strides = array<i32>} : memref<80x256xf32, #tpu.memory_space<vmem>>, vector<16xf32>,
      %add3A_540 = arith.constant 40 : i32
      %add3A_541 = arith.addi %add3A_540, %scan3A_517 : i32
      %get3A_542 = arith.index_cast %add3A_541 : i32 to index
      %get3A_543 = arith.index_cast %add3A_462 : i32 to index
      %get3A_544 = tpu.vector_load %arg14[%get3A_542, %get3A_543] {strides = array<i32>} : memref<80x256xf32, #tpu.memory_space<vmem>>, vector<16xf32>,
      %and3A_545 = vector.broadcast %and3A_532 : i1 to vector<16xi1>
      %and3A_546 = arith.andi %le3A_471, %and3A_545 : vector<16xi1>
      %gt3A = arith.constant 0.000000e+00 : f32
      %gt3A_547 = vector.broadcast %gt3A : f32 to vector<16xf32>
      %gt3A_548 = arith.cmpf ogt, %get3A_536, %gt3A_547 : vector<16xf32>
      %and3A_549 = arith.andi %and3A_546, %gt3A_548 : vector<16xi1>
      %sub3A_550 = vector.broadcast %sub3A_533 : f32 to vector<16xf32>
      %sub3A_551 = arith.subf %get3A_539, %sub3A_550 : vector<16xf32>
      %abs3A_552 = math.absf %sub3A_551 : vector<16xf32>
      %lt3A = arith.constant 1.000000e+00 : f32
      %lt3A_553 = vector.broadcast %lt3A : f32 to vector<16xf32>
      %lt3A_554 = arith.cmpf olt, %abs3A_552, %lt3A_553 : vector<16xf32>
      %mul3A_555 = arith.constant 5.000000e-01 : f32
      %mul3A_556 = vector.broadcast %mul3A_555 : f32 to vector<16xf32>
      %mul3A_557 = arith.mulf %mul3A_556, %sub3A_551 : vector<16xf32>
      %mul3A_558 = arith.mulf %mul3A_557, %sub3A_551 : vector<16xf32>
      %sub3A_559 = arith.constant 5.000000e-01 : f32
      %sub3A_560 = vector.broadcast %sub3A_559 : f32 to vector<16xf32>
      %sub3A_561 = arith.subf %abs3A_552, %sub3A_560 : vector<16xf32>
      %select_n3A_562 = arith.select %lt3A_554, %mul3A_558, %sub3A_561 : vector<16xi1>, vector<16xf32>
      %sub3A_563 = arith.subf %get3A_544, %sub3A_467 : vector<16xf32>
      %abs3A_564 = math.absf %sub3A_563 : vector<16xf32>
      %lt3A_565 = arith.constant 1.000000e+00 : f32
      %lt3A_566 = vector.broadcast %lt3A_565 : f32 to vector<16xf32>
      %lt3A_567 = arith.cmpf olt, %abs3A_564, %lt3A_566 : vector<16xf32>
      %mul3A_568 = arith.constant 5.000000e-01 : f32
      %mul3A_569 = vector.broadcast %mul3A_568 : f32 to vector<16xf32>
      %mul3A_570 = arith.mulf %mul3A_569, %sub3A_563 : vector<16xf32>
      %mul3A_571 = arith.mulf %mul3A_570, %sub3A_563 : vector<16xf32>
      %sub3A_572 = arith.constant 5.000000e-01 : f32
      %sub3A_573 = vector.broadcast %sub3A_572 : f32 to vector<16xf32>
      %sub3A_574 = arith.subf %abs3A_564, %sub3A_573 : vector<16xf32>
      %select_n3A_575 = arith.select %lt3A_567, %mul3A_571, %sub3A_574 : vector<16xi1>, vector<16xf32>
      %add3A_576 = arith.addf %select_n3A_562, %select_n3A_575 : vector<16xf32>
      %jit3A_577 = arith.constant 0.000000e+00 : f32
      %broadcast_in_dim3A_578 = vector.broadcast %jit3A_577 : f32 to vector<16xf32>
      %select_n3A_579 = arith.select %and3A_549, %add3A_576, %broadcast_in_dim3A_578 : vector<16xi1>, vector<16xf32>
      %add3A_580 = arith.addf %scan3A_518, %select_n3A_579 : vector<16xf32>
      %jit3A_581 = arith.constant 1.000000e+00 : f32
      %jit3A_582 = arith.constant 0.000000e+00 : f32
      %broadcast_in_dim3A_583 = vector.broadcast %jit3A_581 : f32 to vector<16xf32>
      %broadcast_in_dim3A_584 = vector.broadcast %jit3A_582 : f32 to vector<16xf32>
      %select_n3A_585 = arith.select %and3A_549, %broadcast_in_dim3A_583, %broadcast_in_dim3A_584 : vector<16xi1>, vector<16xf32>
      %add3A_586 = arith.addf %scan3A_519, %select_n3A_585 : vector<16xf32>
      %get3A_587 = arith.index_cast %scan3A_517 : i32 to index
      %get3A_588 = arith.index_cast %add3A_473 : i32 to index
      %get3A_589 = tpu.vector_load %arg13[%get3A_587, %get3A_588] {strides = array<i32>} : memref<40x256xf32, #tpu.memory_space<vmem>>, vector<16xf32>,
      %get3A_590 = arith.index_cast %scan3A_517 : i32 to index
      %get3A_591 = arith.index_cast %add3A_473 : i32 to index
      %get3A_592 = tpu.vector_load %arg14[%get3A_590, %get3A_591] {strides = array<i32>} : memref<80x256xf32, #tpu.memory_space<vmem>>, vector<16xf32>,
      %add3A_593 = arith.constant 40 : i32
      %add3A_594 = arith.addi %add3A_593, %scan3A_517 : i32
      %get3A_595 = arith.index_cast %add3A_594 : i32 to index
      %get3A_596 = arith.index_cast %add3A_473 : i32 to index
      %get3A_597 = tpu.vector_load %arg14[%get3A_595, %get3A_596] {strides = array<i32>} : memref<80x256xf32, #tpu.memory_space<vmem>>, vector<16xf32>,
      %and3A_598 = vector.broadcast %and3A_532 : i1 to vector<16xi1>
      %and3A_599 = arith.andi %le3A_482, %and3A_598 : vector<16xi1>
      %gt3A_600 = arith.constant 0.000000e+00 : f32
      %gt3A_601 = vector.broadcast %gt3A_600 : f32 to vector<16xf32>
      %gt3A_602 = arith.cmpf ogt, %get3A_589, %gt3A_601 : vector<16xf32>
      %and3A_603 = arith.andi %and3A_599, %gt3A_602 : vector<16xi1>
      %sub3A_604 = vector.broadcast %sub3A_533 : f32 to vector<16xf32>
      %sub3A_605 = arith.subf %get3A_592, %sub3A_604 : vector<16xf32>
      %abs3A_606 = math.absf %sub3A_605 : vector<16xf32>
      %lt3A_607 = arith.constant 1.000000e+00 : f32
      %lt3A_608 = vector.broadcast %lt3A_607 : f32 to vector<16xf32>
      %lt3A_609 = arith.cmpf olt, %abs3A_606, %lt3A_608 : vector<16xf32>
      %mul3A_610 = arith.constant 5.000000e-01 : f32
      %mul3A_611 = vector.broadcast %mul3A_610 : f32 to vector<16xf32>
      %mul3A_612 = arith.mulf %mul3A_611, %sub3A_605 : vector<16xf32>
      %mul3A_613 = arith.mulf %mul3A_612, %sub3A_605 : vector<16xf32>
      %sub3A_614 = arith.constant 5.000000e-01 : f32
      %sub3A_615 = vector.broadcast %sub3A_614 : f32 to vector<16xf32>
      %sub3A_616 = arith.subf %abs3A_606, %sub3A_615 : vector<16xf32>
      %select_n3A_617 = arith.select %lt3A_609, %mul3A_613, %sub3A_616 : vector<16xi1>, vector<16xf32>
      %sub3A_618 = arith.subf %get3A_597, %sub3A_478 : vector<16xf32>
      %abs3A_619 = math.absf %sub3A_618 : vector<16xf32>
      %lt3A_620 = arith.constant 1.000000e+00 : f32
      %lt3A_621 = vector.broadcast %lt3A_620 : f32 to vector<16xf32>
      %lt3A_622 = arith.cmpf olt, %abs3A_619, %lt3A_621 : vector<16xf32>
      %mul3A_623 = arith.constant 5.000000e-01 : f32
      %mul3A_624 = vector.broadcast %mul3A_623 : f32 to vector<16xf32>
      %mul3A_625 = arith.mulf %mul3A_624, %sub3A_618 : vector<16xf32>
      %mul3A_626 = arith.mulf %mul3A_625, %sub3A_618 : vector<16xf32>
      %sub3A_627 = arith.constant 5.000000e-01 : f32
      %sub3A_628 = vector.broadcast %sub3A_627 : f32 to vector<16xf32>
      %sub3A_629 = arith.subf %abs3A_619, %sub3A_628 : vector<16xf32>
      %select_n3A_630 = arith.select %lt3A_622, %mul3A_626, %sub3A_629 : vector<16xi1>, vector<16xf32>
      %add3A_631 = arith.addf %select_n3A_617, %select_n3A_630 : vector<16xf32>
      %jit3A_632 = arith.constant 0.000000e+00 : f32
      %broadcast_in_dim3A_633 = vector.broadcast %jit3A_632 : f32 to vector<16xf32>
      %select_n3A_634 = arith.select %and3A_603, %add3A_631, %broadcast_in_dim3A_633 : vector<16xi1>, vector<16xf32>
      %add3A_635 = arith.addf %scan3A_520, %select_n3A_634 : vector<16xf32>
      %jit3A_636 = arith.constant 1.000000e+00 : f32
      %jit3A_637 = arith.constant 0.000000e+00 : f32
      %broadcast_in_dim3A_638 = vector.broadcast %jit3A_636 : f32 to vector<16xf32>
      %broadcast_in_dim3A_639 = vector.broadcast %jit3A_637 : f32 to vector<16xf32>
      %select_n3A_640 = arith.select %and3A_603, %broadcast_in_dim3A_638, %broadcast_in_dim3A_639 : vector<16xi1>, vector<16xf32>
      %add3A_641 = arith.addf %scan3A_521, %select_n3A_640 : vector<16xf32>
      %get3A_642 = arith.index_cast %scan3A_517 : i32 to index
      %get3A_643 = arith.index_cast %add3A_484 : i32 to index
      %get3A_644 = tpu.vector_load %arg13[%get3A_642, %get3A_643] {strides = array<i32>} : memref<40x256xf32, #tpu.memory_space<vmem>>, vector<16xf32>,
      %get3A_645 = arith.index_cast %scan3A_517 : i32 to index
      %get3A_646 = arith.index_cast %add3A_484 : i32 to index
      %get3A_647 = tpu.vector_load %arg14[%get3A_645, %get3A_646] {strides = array<i32>} : memref<80x256xf32, #tpu.memory_space<vmem>>, vector<16xf32>,
      %add3A_648 = arith.constant 40 : i32
      %add3A_649 = arith.addi %add3A_648, %scan3A_517 : i32
      %get3A_650 = arith.index_cast %add3A_649 : i32 to index
      %get3A_651 = arith.index_cast %add3A_484 : i32 to index
      %get3A_652 = tpu.vector_load %arg14[%get3A_650, %get3A_651] {strides = array<i32>} : memref<80x256xf32, #tpu.memory_space<vmem>>, vector<16xf32>,
      %and3A_653 = vector.broadcast %and3A_532 : i1 to vector<16xi1>
      %and3A_654 = arith.andi %le3A_493, %and3A_653 : vector<16xi1>
      %gt3A_655 = arith.constant 0.000000e+00 : f32
      %gt3A_656 = vector.broadcast %gt3A_655 : f32 to vector<16xf32>
      %gt3A_657 = arith.cmpf ogt, %get3A_644, %gt3A_656 : vector<16xf32>
      %and3A_658 = arith.andi %and3A_654, %gt3A_657 : vector<16xi1>
      %sub3A_659 = vector.broadcast %sub3A_533 : f32 to vector<16xf32>
      %sub3A_660 = arith.subf %get3A_647, %sub3A_659 : vector<16xf32>
      %abs3A_661 = math.absf %sub3A_660 : vector<16xf32>
      %lt3A_662 = arith.constant 1.000000e+00 : f32
      %lt3A_663 = vector.broadcast %lt3A_662 : f32 to vector<16xf32>
      %lt3A_664 = arith.cmpf olt, %abs3A_661, %lt3A_663 : vector<16xf32>
      %mul3A_665 = arith.constant 5.000000e-01 : f32
      %mul3A_666 = vector.broadcast %mul3A_665 : f32 to vector<16xf32>
      %mul3A_667 = arith.mulf %mul3A_666, %sub3A_660 : vector<16xf32>
      %mul3A_668 = arith.mulf %mul3A_667, %sub3A_660 : vector<16xf32>
      %sub3A_669 = arith.constant 5.000000e-01 : f32
      %sub3A_670 = vector.broadcast %sub3A_669 : f32 to vector<16xf32>
      %sub3A_671 = arith.subf %abs3A_661, %sub3A_670 : vector<16xf32>
      %select_n3A_672 = arith.select %lt3A_664, %mul3A_668, %sub3A_671 : vector<16xi1>, vector<16xf32>
      %sub3A_673 = arith.subf %get3A_652, %sub3A_489 : vector<16xf32>
      %abs3A_674 = math.absf %sub3A_673 : vector<16xf32>
      %lt3A_675 = arith.constant 1.000000e+00 : f32
      %lt3A_676 = vector.broadcast %lt3A_675 : f32 to vector<16xf32>
      %lt3A_677 = arith.cmpf olt, %abs3A_674, %lt3A_676 : vector<16xf32>
      %mul3A_678 = arith.constant 5.000000e-01 : f32
      %mul3A_679 = vector.broadcast %mul3A_678 : f32 to vector<16xf32>
      %mul3A_680 = arith.mulf %mul3A_679, %sub3A_673 : vector<16xf32>
      %mul3A_681 = arith.mulf %mul3A_680, %sub3A_673 : vector<16xf32>
      %sub3A_682 = arith.constant 5.000000e-01 : f32
      %sub3A_683 = vector.broadcast %sub3A_682 : f32 to vector<16xf32>
      %sub3A_684 = arith.subf %abs3A_674, %sub3A_683 : vector<16xf32>
      %select_n3A_685 = arith.select %lt3A_677, %mul3A_681, %sub3A_684 : vector<16xi1>, vector<16xf32>
      %add3A_686 = arith.addf %select_n3A_672, %select_n3A_685 : vector<16xf32>
      %jit3A_687 = arith.constant 0.000000e+00 : f32
      %broadcast_in_dim3A_688 = vector.broadcast %jit3A_687 : f32 to vector<16xf32>
      %select_n3A_689 = arith.select %and3A_658, %add3A_686, %broadcast_in_dim3A_688 : vector<16xi1>, vector<16xf32>
      %add3A_690 = arith.addf %scan3A_522, %select_n3A_689 : vector<16xf32>
      %jit3A_691 = arith.constant 1.000000e+00 : f32
      %jit3A_692 = arith.constant 0.000000e+00 : f32
      %broadcast_in_dim3A_693 = vector.broadcast %jit3A_691 : f32 to vector<16xf32>
      %broadcast_in_dim3A_694 = vector.broadcast %jit3A_692 : f32 to vector<16xf32>
      %select_n3A_695 = arith.select %and3A_658, %broadcast_in_dim3A_693, %broadcast_in_dim3A_694 : vector<16xi1>, vector<16xf32>
      %add3A_696 = arith.addf %scan3A_523, %select_n3A_695 : vector<16xf32>
      scf.yield %add3A_580, %add3A_586, %add3A_635, %add3A_641, %add3A_690, %add3A_696 : vector<16xf32>, vector<16xf32>, vector<16xf32>, vector<16xf32>, vector<16xf32>, vector<16xf32>
    }
    %scan3A_504 = arith.constant 33 : i32
    %add3A_505 = arith.addf %scan3A_503#0, %scan3A_503#2 : vector<16xf32>
    %add3A_506 = arith.addf %add3A_505, %scan3A_503#4 : vector<16xf32>
    %add3A_507 = arith.addf %scan3A_503#1, %scan3A_503#3 : vector<16xf32>
    %add3A_508 = arith.addf %add3A_507, %scan3A_503#5 : vector<16xf32>
    %swap3A_509 = arith.constant 0 : i32
    %swap3A_510 = arith.index_cast %swap3A_509 : i32 to index
    %swap3A_511 = arith.constant 0 : index
    %swap3A_512 = tpu.vector_load %arg15[%swap3A_510, %swap3A_511] {strides = array<i32>} : memref<2x16xf32, #tpu.memory_space<vmem>>, vector<16xf32>,
    tpu.vector_store %arg15[%swap3A_510, %swap3A_511], %add3A_506 {strides = array<i32>} : memref<2x16xf32, #tpu.memory_space<vmem>>, vector<16xf32>,
    %swap3A_513 = arith.constant 1 : i32
    %swap3A_514 = arith.index_cast %swap3A_513 : i32 to index
    %swap3A_515 = arith.constant 0 : index
    %swap3A_516 = tpu.vector_load %arg15[%swap3A_514, %swap3A_515] {strides = array<i32>} : memref<2x16xf32, #tpu.memory_space<vmem>>, vector<16xf32>,
    tpu.vector_store %arg15[%swap3A_514, %swap3A_515], %add3A_508 {strides = array<i32>} : memref<2x16xf32, #tpu.memory_space<vmem>>, vector<16xf32>,
    "tpu.region"() ({
      %run_scoped3A = tpu.sem_alloc : memref<!tpu.dma_semaphore, #tpu.memory_space<semaphore_mem>>
      %dma_start3A_517 = arith.constant 0 : i32
      %dma_start3A_518 = arith.constant 0 : i32
      %dma_start3A_519 = tpu.memref_slice %arg5[%add3A, %dma_start3A_517, %dma_start3A_518] : memref<32x2x16xf32, #tpu.memory_space<hbm>> -> memref<1x2x16xf32, #tpu.memory_space<hbm>>
      %dma_start3A_520 = tpu.memref_squeeze %dma_start3A_519 : memref<1x2x16xf32, #tpu.memory_space<hbm>> -> memref<2x16xf32, #tpu.memory_space<hbm>>
      %dma_start3A_521 = arith.constant 0 : i32
      %dma_start3A_522 = arith.constant 0 : i32
      %dma_start3A_523 = tpu.memref_slice %arg5[%add3A, %dma_start3A_521, %dma_start3A_522] : memref<32x2x16xf32, #tpu.memory_space<hbm>> -> memref<1x2x16xf32, #tpu.memory_space<hbm>>
      %dma_start3A_524 = tpu.memref_squeeze %dma_start3A_523 : memref<1x2x16xf32, #tpu.memory_space<hbm>> -> memref<2x16xf32, #tpu.memory_space<hbm>>
      tpu.enqueue_dma source(%arg15 : memref<2x16xf32, #tpu.memory_space<vmem>>) target(%dma_start3A_524 : memref<2x16xf32, #tpu.memory_space<hbm>>) target_semaphore(%run_scoped3A : memref<!tpu.dma_semaphore, #tpu.memory_space<semaphore_mem>>)
      %dma_wait3A_525 = arith.constant 0 : i32
      %dma_wait3A_526 = arith.constant 0 : i32
      %dma_wait3A_527 = tpu.memref_slice %arg5[%add3A, %dma_wait3A_525, %dma_wait3A_526] : memref<32x2x16xf32, #tpu.memory_space<hbm>> -> memref<1x2x16xf32, #tpu.memory_space<hbm>>
      %dma_wait3A_528 = tpu.memref_squeeze %dma_wait3A_527 : memref<1x2x16xf32, #tpu.memory_space<hbm>> -> memref<2x16xf32, #tpu.memory_space<hbm>>
      %dma_wait3A_529 = arith.constant 0 : i32
      %dma_wait3A_530 = arith.constant 0 : i32
      %dma_wait3A_531 = tpu.memref_slice %arg5[%add3A, %dma_wait3A_529, %dma_wait3A_530] : memref<32x2x16xf32, #tpu.memory_space<hbm>> -> memref<1x2x16xf32, #tpu.memory_space<hbm>>
      %dma_wait3A_532 = tpu.memref_squeeze %dma_wait3A_531 : memref<1x2x16xf32, #tpu.memory_space<hbm>> -> memref<2x16xf32, #tpu.memory_space<hbm>>
      tpu.wait_dma2 semaphore(%run_scoped3A : memref<!tpu.dma_semaphore, #tpu.memory_space<semaphore_mem>>) src(%arg15 : memref<2x16xf32, #tpu.memory_space<vmem>>) dst(%dma_wait3A_532 : memref<2x16xf32, #tpu.memory_space<hbm>>)
      tpu.yield
    }) : () -> ()
    return
  }
}

</mosaic_0001>

<sc_bundles>
// kernel: kernel.3.cloned.1.call-start
scs
__scs_entry_jumppad:
0x0: {  	(pc) =	sbr.rel $0x88, $3  }
0x1: {  	(tag) =	ssettag $0x0;
	lr =	simm.s32 $0x1  }
0x2: {  	[smem:$0x3F9E] =	sst lr;
	_ =	strace $0xD0000000  }
0x3: {  	_ = 	snop  }
0x4: {  	_ = 	snop  }
0x5: {  	_ = 	snop  }
0x6: {  	_ = 	snop  }
0x7: {  	_ = 	snop  }
__scs_overlays_trampoline_lowered:
0x8: {  	[smem:$0x3FAD] =	sst s0  }
0x9: {  	[smem:$0x3FAE] =	sst s1  }
0xa: {  	[smem:$0x3FAF] =	sst s2  }
0xb: {  	[smem:$0x3FB0] =	sst s3  }
0xc: {  	[smem:$0x3FB1] =	sst s4  }
0xd: {  	[smem:$0x3FB2] =	sst s5  }
0xe: {  	[smem:$0x3FB3] =	sst s6  }
0xf: {  	[smem:$0x3FB4] =	sst s7  }
0x10: {  	[smem:$0x3FB5] =	sst s8  }
0x11: {  	[smem:$0x3FB6] =	sst s9;
	s0 =	simm.s32 @!p0 $0x0  }
0x12: {  	s1 =	sld [smem:$0x3F9C];
	s0 =	simm.s32 @p0 $0x1  }
0x13: {  	[smem:$0x3FB7] =	sst s0;
	s0 =	simm.s32 @!p1 $0x0  }
0x14: {  	s2 =	sld [smem:$0x3F9B];
	s0 =	simm.s32 @p1 $0x1  }
0x15: {  	[smem:$0x3FB8] =	sst s0;
	s0 =	simm.s32 @!p2 $0x0  }
0x16: {  	s3 =	sld [smem:$0x3FDB];
	s0 =	simm.s32 @p2 $0x1  }
0x17: {  	s4 =	simm.s32 $0x1BF5;
	[smem:$0x3FBA] =	sst s0  }
0x18: {  	s0 =	sld [smem:$0x3F9D];
	_ =	swait.ge [sflag:s4], $0x0  }
0x19: {  	s7 =	sld [smem:$0x3F9E]  }
0x1a: {  	s8 =	sadd.s32 $0xFFFFE003, lr  }
0x1b: {  	s9 =	sadd.s32 $0xFFFFFEF7, lr;
	s5 =	simm.s32 $0xFFFFFFFF;
	p2 =	slt.u32 s8, $0xFFFFF086  }
0x1c: {  	p1 =	slt.u32 s9, $0xF7A;
	s5 =	simm.s32 @!p2 $0x0  }
0x1d: {  	s5 =	simm.s32 @p1 $0x1;
	p0 =	seq.s32 s7, s2  }
0x1e: {  	s7 =	smul.u32 @!p0 $0xF7A, s2;
	p2 =	seq.s32 @!p0 s5, $0x0  }
0x1f: {  	s9 =	smul.u32 $0xF7A, s1;
	s8 =	simm.s32 @!p0 $0x1BF5;
	p2 =	por !p2, p0  }
0x20: {  	[sflag:s8] =	ssyncset.s32 @!p0 $0xFFFFF086;
	s6 =	sadd.s32 @!p0 s3, s7;
	s7 =	simm.s32 @!p0 $0x108  }
0x21: {  	s3 =	sadd.s32 s3, s9;
	s6 =	sadd.s32 @!p0 $0x88, s6;
	s7 =	simm.s32 @p2 $0x1082  }
0x22: {  	[simem:s7], [sflag:s8] =	dma.local @!p0 [hbm:s6], $0xF7A  }
0x23: {  	s9 =	sor.u32 $0xD0000000, s2;
	s6 =	simm.s32 $0x108;
	_ =	swait.ge @!p0 [sflag:s8], $0x0  }
0x24: {  	s3 =	sadd.s32 $0x88, s3;
	s6 =	simm.s32 @!p1 $0x1082;
	[sflag:s4] =	ssyncset.s32 $0xFFFFF086  }
0x25: {  	[simem:s6], [sflag:s4] =	dma.local [hbm:s3], $0xF7A  }
0x26: {  	[smem:$0x3F9E] =	sst s1;
	(tag) =	ssettag s2;
	_ =	strace s9  }
0x27: {  	s1 =	sld [smem:$0x3FAE]  }
0x28: {  	s2 =	sld [smem:$0x3FAF]  }
0x29: {  	s4 =	sld [smem:$0x3FB1]  }
0x2a: {  	p0 =	seq.s32 s5, $0x0;
	s5 =	sld [smem:$0x3FB2]  }
0x2b: {  	s6 =	sld [smem:$0x3FB3]  }
0x2c: {  	s7 =	sld [smem:$0x3FB4]  }
0x2d: {  	s3 =	simm.s32 $0x108;
	s8 =	sld [smem:$0x3FB5]  }
0x2e: {  	s3 =	simm.s32 @!p0 $0x1082;
	s9 =	sld [smem:$0x3FB6]  }
0x2f: {  	lr =	sadd.s32 s0, s3;
	s0 =	sld [smem:$0x3FAD]  }
0x30: {  	s3 =	sld [smem:$0x3FB0]  }
0x31: {  	[smem:$0x3FB9] =	sst s10  }
0x32: {  	s10 =	sld [smem:$0x3FB7];
	_ =	sdelay $0x3  }
0x33: {  	p0 =	seq.s32 s10, $0x1;
	s10 =	sld [smem:$0x3FB9];
	_ =	sdelay $0x3  }
0x34: {  	[smem:$0x3FB9] =	sst s10  }
0x35: {  	s10 =	sld [smem:$0x3FB8];
	_ =	sdelay $0x3  }
0x36: {  	p1 =	seq.s32 s10, $0x1;
	s10 =	sld [smem:$0x3FB9];
	_ =	sdelay $0x3  }
0x37: {  	[smem:$0x3FB9] =	sst s10  }
0x38: {  	s10 =	sld [smem:$0x3FBA]  }
0x39: {  	_ = 	snop;
	(pc) =	sbr.ind lr, $3  }
0x3a: {  	_ = 	snop  }
0x3b: {  	_ = 	snop  }
0x3c: {  	p2 =	seq.s32 s10, $0x1;
	s10 =	sld [smem:$0x3FB9]  }
0x3d: {  	_ =	shalt  }
0x3e: {  	_ =	shalt  }
0x3f: {  	_ =	shalt  }
0x40: {  	_ =	shalt  }
0x41: {  	_ =	shalt  }
0x42: {  	_ =	shalt  }
0x43: {  	_ =	shalt  }
0x44: {  	_ =	shalt  }
0x45: {  	_ =	shalt  }
0x46: {  	_ =	shalt  }
0x47: {  	_ =	shalt  }
0x48: {  	_ =	shalt  }
0x49: {  	_ =	shalt  }
0x4a: {  	_ =	shalt  }
0x4b: {  	_ =	shalt  }
0x4c: {  	_ =	shalt  }
0x4d: {  	_ =	shalt  }
0x4e: {  	_ =	shalt  }
0x4f: {  	_ =	shalt  }
0x50: {  	_ =	shalt  }
0x51: {  	_ =	shalt  }
0x52: {  	_ =	shalt  }
0x53: {  	_ =	shalt  }
0x54: {  	_ =	shalt  }
0x55: {  	_ =	shalt  }
0x56: {  	_ =	shalt  }
0x57: {  	_ =	shalt  }
0x58: {  	_ =	shalt  }
0x59: {  	_ =	shalt  }
0x5a: {  	_ =	shalt  }
0x5b: {  	_ =	shalt  }
0x5c: {  	_ =	shalt  }
0x5d: {  	_ =	shalt  }
0x5e: {  	_ =	shalt  }
0x5f: {  	_ =	shalt  }
0x60: {  	_ =	shalt  }
0x61: {  	_ =	shalt  }
0x62: {  	_ =	shalt  }
0x63: {  	_ =	shalt  }
0x64: {  	_ =	shalt  }
0x65: {  	_ =	shalt  }
0x66: {  	_ =	shalt  }
0x67: {  	_ =	shalt  }
0x68: {  	_ =	shalt  }
0x69: {  	_ =	shalt  }
0x6a: {  	_ =	shalt  }
0x6b: {  	_ =	shalt  }
0x6c: {  	_ =	shalt  }
0x6d: {  	_ =	shalt  }
0x6e: {  	_ =	shalt  }
0x6f: {  	_ =	shalt  }
0x70: {  	_ =	shalt  }
0x71: {  	_ =	shalt  }
0x72: {  	_ =	shalt  }
0x73: {  	_ =	shalt  }
0x74: {  	_ =	shalt  }
0x75: {  	_ =	shalt  }
0x76: {  	_ =	shalt  }
0x77: {  	_ =	shalt  }
0x78: {  	_ =	shalt  }
0x79: {  	_ =	shalt  }
0x7a: {  	_ =	shalt  }
0x7b: {  	_ =	shalt  }
0x7c: {  	_ =	shalt  }
0x7d: {  	_ =	shalt  }
0x7e: {  	_ =	shalt  }
0x7f: {  	_ =	shalt  }
0x80: {  	_ =	shalt  }
0x81: {  	_ =	shalt  }
0x82: {  	_ =	shalt  }
0x83: {  	_ =	shalt  }
0x84: {  	_ =	shalt  }
0x85: {  	_ =	shalt  }
0x86: {  	_ =	shalt  }
0x87: {  	_ =	shalt  }
.Lfunc_end0:
.L_simem_size_0:
called_computation_lowered:
.L_overlay_start_0:
0x88: {  	s2 =	sld [smem:$0x3FD9]  }
0x89: {  	s3 =	sld [smem:$0x3FFE];
	_ =	sdelay $0x1  }
0x8a: {  	s1 =	srdreg.scid  }
0x8b: {  	s0 =	sand.u32 $0x1, s1  }
0x8c: {  	s17 =	sshll.u32 s0, $0xA;
	s2 =	sadd.s32 s3, s2  }
0x8d: {  	s2 =	sadd.s32 s2, s17  }
0x8e: {  	[smem:$0x3FC5] =	sst s2  }
0x8f: {  	_ = 	snop  }
0x90: {  	s2 =	sld [smem:$0x3FC9]  }
0x91: {  	s18 =	sld [smem:$0x3FC8]  }
0x92: {  	s4 =	sld [smem:$0x3FC7];
	(tm) =	ssettm $0x1  }
0x93: {  	s5 =	sld [smem:$0x3FFB];
	_ =	sdelay $0x3  }
0x94: {  	_ =	strace s5  }
0x95: {  	s5 =	sld [smem:$0x3FFC];
	_ =	sdelay $0x3  }
0x96: {  	_ =	strace s5  }
0x97: {  	s5 =	sld [smem:$0x3FFD];
	_ =	sdelay $0x3  }
0x98: {  	_ =	strace s5  }
0x99: {  	_ =	strace $0x8FFFFFFF  }
0x9a: {  	s19 =	sld [smem:$0x3FDB];
	_ =	sdelay $0x1  }
0x9b: {  	s6 =	simm.s32 $_scs_section_size  }
0x9c: {  	s7 =	simm.s32 $_size__tile_overlayer_lowered;
	s8 =	simm.s32 $_tile_overlayer_lowered  }
0x9d: {  	s22 =	simm.s32 $0x1BFF;
	s21 =	sshll.u32 s8, $0x1;
	s5 =	sadd.s32 s6, s19  }
0x9e: {  	s9 =	simm.s32 $0x0;
	s20 =	sshll.u32 s7, $0x1;
	s7 =	sadd.s32 s21, s5  }
0x9f: {  	[timem:s9], [sflag:s22] =	dma.local [hbm:s7], s20  }
0xa0: {  	_ =	swait.ge [sflag:s22], s20  }
0xa1: {  	s6 =	ssub.s32 $0x0, s20;
	[sflag:s22] =	ssyncset.done $0x0  }
0xa2: {  	[sflag:s22] =	ssyncadd.s32 s6;
	_ =	sdelay $0x1  }
0xa3: {  	s23 =	simm.s32 $0x1B8B  }
0xa4: {  	_ =	swait.ge [sflag:s23], $0x1  }
0xa5: {  	[sflag:s23] =	ssyncset.done $0x0  }
0xa6: {  	s25 =	simm.s32 $0x1B8E;
	s24 =	sld [smem:$0x3FFE];
	[sflag:s23] =	ssyncadd.s32 $0xFFFFFFFF  }
0xa7: {  	s26 =	simm.s32 $execute0_lowered;
	[smem:$0x3FD2] =	sst s25  }
0xa8: {  	s7 =	sshll.u32 s26, $0x1;
	_ =	strace $0x80000046;
	[dreg:$0x1] =	wrdreg $0xFFFFFFFF  }
0xa9: {  	s28 =	simm.s32 $_size_execute0_lowered;
	s5 =	sadd.s32 s5, s7;
	[dreg:$0x0] =	wrdreg $0x0  }
0xaa: {  	s7 =	sshll.u32 s28, $0x1;
	[dreg:$0x2] =	wrdreg s5  }
0xab: {  	[dreg:$0x3] =	wrdreg s7  }
0xac: {  	[dreg:$0x4] =	wrdreg $0xC0  }
0xad: {  	_ =	task [dreg:s9], $0x5FFFF  }
0xae: {  	[dreg:$0x1] =	wrdreg $0xFFFFFFFF  }
0xaf: {  	[dreg:$0x0] =	wrdreg $0x60  }
0xb0: {  	[dreg:$0x2] =	wrdreg s2  }
0xb1: {  	[dreg:$0x3] =	wrdreg s18  }
0xb2: {  	[dreg:$0x4] =	wrdreg s4  }
0xb3: {  	[dreg:$0x5] =	wrdreg s24  }
0xb4: {  	[dreg:$0x6] =	wrdreg $0x9  }
0xb5: {  	_ =	task.clear_ibuf [dreg:s9], $0x7FFFF;
	_ =	strace $0x90000046  }
0xb6: {  	s29 =	simm.s32 $0x9;
	_ =	strace $0x80000048  }
0xb7: {  	_ =	swait.ge [sflag:s29], $0x1  }
0xb8: {  	[sflag:s29] =	ssyncadd.s32 $0xFFFFFFFF  }
0xb9: {  	_ =	strace $0x90000048  }
0xba: {  	_ =	sfence  }
0xbb: {  	s30 =	sld [smem:$0x0];
	_ =	sdelay $0x2  }
0xbc: {  	s31 =	sshll.u32 s1, $0xD;
	s1 =	sshrl.u32 s1, $0x2  }
0xbd: {  	s3 =	sand.u32 $0x4000, s31;
	s1 =	sadd.s32 s1, s30  }
0xbe: {  	s0 =	sor.u32 s3, s0;
	s1 =	sshll.u32 s1, $0x11  }
0xbf: {  	s0 =	sor.u32 s1, s0  }
0xc0: {  	s0 =	sadd.s32 $0x8F2B, s0  }
0xc1: {  	[sflag:s0] =	ssyncadd.remote.s32 $0x1  }
0xc2: {  	_ =	sfence.sel $0xFFFF  }
0xc3: {  	[dreg:$0x0] =	wrdreg $0xFFFFFFFF;
	(pc) =	sbr.abs _section_cstart, $3  }
0xc4: {  	[dreg:$0x1] =	wrdreg $0xFFFFFFFF  }
0xc5: {  	_ =	task.clear_ibuf [dreg:s9], $0x2FFFF;
	_ =	strace $0x9FFFFFFF  }
0xc6: {  	(tm) =	ssettm $0x7FFFFFFF  }
0xc7: {  	_ =	shalt  }
tec
execute0_lowered:
.L_overlay_start_1:
0x0: {  	(tag) =	ssettag $0x1  }
0x1: {  	s0 =	srdreg.scid;
	s1 =	stileid.u32  }
0x2: {  	s0 =	sand.u32 $0x1, s0;
	s2 =	sshll.u32 s1, $0x1  }
0x3: {  	s3 =	sor.u32 s0, s2  }
0x4: {  	s4 =	sshll.u32 s3, $0x1  }
0x5: {  	s5 =	sand.u32 $0xE, s4  }
0x6: {  	v0 =	vlaneseq.u32;
	v5 =	vimm.s32 $0x0;
	v1 =	vmov s5  }
0x7: {  	v6 =	vimm.f32 $1.500000000e+01;
	v15 =	vimm.f32 $0.0e+00;
	vm0 =	veq.s32 v1, v0  }
0x8: {  	v13 =	vshrl.u32 v0, $0x3;
	s6 =	sshll.u32 s3, $0x9;
	v1 =	vsel vm0, $0x3F800000, v5;
	vm0 =	vcmask $0x300  }
0x9: {  	s8 =	sshll.u32 s3, $0xA;
	s29 =	sshllo.u32 s3, $0x1;
	v2 =	vmov s6;
	s6 =	sand.u32 $0x30, s4;
	v6 =	vsel vm0, $0x0, v6;
	vm0 =	vcmask $0x704  }
0xa: {  	v3 =	vmov s8;
	s30 =	ssub.s32 s29, s6;
	v6 =	vsel vm0, $0x3F800000, v6;
	vm0 =	vcmask $0xB08  }
0xb: {  	v7 =	vmov s30;
	v6 =	vsel vm0, $0x40000000, v6;
	vm0 =	vcmask $0xF0C  }
0xc: {  	s28 =	sor.u32 $0x100, s8;
	vm1 =	veq.s32 v7, v0;
	v7 =	vsel vm0, $0x40400000, v6;
	vm0 =	vcmask $0x1310  }
0xd: {  	v4 =	vmov s28;
	v8 =	vsel vm0, $0x40800000, v7;
	vm0 =	vcmask $0x1714  }
0xe: {  	s10 =	sshll.u32 s29, $0x8;
	v5 =	vsel vm1, $0x3F800000, v5;
	v9 =	vsel vm0, $0x40A00000, v8;
	vm0 =	vcmask $0x1B18  }
0xf: {  	s31 =	sshll.u32 s29, $0x9;
	vm1 =	vcmask $0x1F1C;
	v6 =	vmov s10;
	v9 =	vsel vm0, $0x40C00000, v9  }
0x10: {  	s11 =	sor.u32 $0x100, s31;
	v7 =	vmov s31;
	v10 =	vsel vm1, $0x40E00000, v9;
	vm1 =	vcmask $0x2320  }
0x11: {  	v8 =	vmov s11;
	v11 =	vsel vm1, $0x41000000, v10;
	vm1 =	vcmask $0x2724  }
0x12: {  	s7 =	rddreg [dreg:$0x3];
	vm0 =	vmmov $0xffff;
	v12 =	vsel vm1, $0x41100000, v11;
	vm1 =	vcmask $0x2B28  }
0x13: {  	s16 =	simm.s32 $0x1;
	s17 =	simm.s32 $0xF300;
	s1 =	rddreg [dreg:$0x0];
	v9 =	vor.u32 $0x10, v0;
	v12 =	vsel vm1, $0x41200000, v12;
	vm1 =	vcmask $0x2F2C  }
0x14: {  	s18 =	simm.s32 $0x0;
	s2 =	rddreg [dreg:$0x1];
	s0 =	ssub.s32 $0x2, s0;
	v10 =	vor.u32 $0x20, v0;
	v14 =	vsel vm1, $0x41300000, v12;
	vm1 =	vcmask $0x3330  }
0x15: {  	s9 =	sshrl.u32 s0, $0x1;
	s3 =	sshll.u32 s3, $0x5;
	s5 =	simm.s32 $0x0;
	v11 =	vand.u32 $0x7, v0;
	v14 =	vsel vm1, $0x41400000, v14;
	vm1 =	vcmask $0x3734  }
0x16: {  	s0 =	ssub.s32 s0, s9;
	s7 =	sadd.s32 s7, s3;
	[smem:$0x7FF] =	sst s5;
	v12 =	vmul.u32 $0x8, v13;
	v14 =	vsel vm1, $0x41500000, v14;
	vm1 =	vcmask $0x3B38  }
0x17: {  	s9 =	simm.s32 $0x2;
	s8 =	smax.u32 s0, $0x1;
	_ =	strace $0x80000047;
	v13 =	vor.u32 $0x8, v0;
	v14 =	vsel vm1, $0x41600000, v14;
	vm1 =	vmxor vm1, vm1  }
.LBB2_1:
0x18: {  	s0 =	rddreg [dreg:$0x2]  }
0x19: {  	[tilespmem:s5], [sflag:$0x2] =	stream.linear.gather [hbm4b:s0+s5], $0x100, $0x38;
	[tilespmem:$0xF400] =	vst v63  }
0x1a: {  	_ =	swait.ge [sflag:s9], $0x100  }
0x1b: {  	[sflag:s9] =	ssyncset.done $0x0  }
0x1c: {  	[sflag:s9] =	ssyncadd.s32 $0xFFFFFF00  }
0x1d: {  	v16 =	vld [tilespmem:s6+$0x0];
	_ =	sdelay $0x4  }
0x1e: {  	v16 =	vmul.f32 v1, v16;
	_ =	sdelay $0x1  }
0x1f: {  	(xrf2) =	vadd.scan.msk.f32 $0xffff, v16;
	_ =	sdelay $0x9  }
0x20: {  	v16, _, _ =	vpop (xrf2)  }
0x21: {  	(v2sf) =	vpush v16, $0xF;
	_ =	sdelay $0xe  }
0x22: {  	s19 =	spop (v2sf)  }
0x23: {  	s20 =	smul.f32 $2.550000000e+02, s19;
	_ =	sdelay $0x1  }
0x24: {  	s19 =	sadd.f32 $-1.600000000e+01, s20;
	_ =	sdelay $0x1  }
0x25: {  	s19 =	smax.f32 s19, $0.0e+00  }
0x26: {  	s22 =	scvt.f32.s32 s19;
	_ =	sdelay $0x1  }
0x27: {  	v16 =	vadd.s32 s22, v0  }
0x28: {  	vm2 =	vlt.s32 v16, $0xFF  }
0x29: {  	v16 =	vnsel vm2, $0xFF, v16  }
0x2a: {  	v18 =	vadd.s32 v2, v16  }
0x2b: {  	v17 =	vld [tilespmem:s6+$0x80];
	[tilespmem:$0x100] =	vst v18  }
0x2c: {  	v18 =	vld [tilespmem:$0x100];
	_ =	sdelay $0x3  }
0x2d: {  	v20 =	vadd.s32 s22, v9  }
0x2e: {  	vm2 =	vlt.s32 v20, $0xFF;
	v21 =	vshll.u32 v18, $0x1  }
0x2f: {  	v19 =	vadd.s32 v3, v16;
	v18 =	vand.u32 $0x7, v18;
	v21 =	vand.u32 $0xFFFFFFF0, v21  }
0x30: {  	v16 =	vadd.s32 v4, v16;
	[tilespmem:$0x180] =	vst v19;
	v19 =	vnsel vm2, $0xFF, v20;
	v18 =	vor.u32 v18, v21  }
0x31: {  	[tilespmem:$0x1B0] =	vst v16;
	v20 =	vadd.s32 s22, v10;
	v16 =	vadd.s32 v2, v19;
	v21 =	vperm.xlane v18, v11  }
0x32: {  	vm2 =	vlt.s32 v20, $0xFF;
	[tilespmem:$0x110] =	vst v16;
	v16 =	vadd.s32 v3, v19;
	v19 =	vadd.s32 v4, v19  }
0x33: {  	[tilespmem:$0x190] =	vst v16;
	v16 =	vnsel vm2, $0xFF, v20;
	v18 =	vperm.xlane v18, v13;
	v20 =	vadd.s32 v12, v21  }
0x34: {  	[tilespmem:$0x1C0] =	vst v19;
	v19 =	vadd.s32 v2, v16  }
0x35: {  	[tilespmem:$0x120] =	vst v19;
	v19 =	vadd.s32 v3, v16;
	v18 =	vadd.s32 v12, v18  }
0x36: {  	v16 =	vadd.s32 v4, v16;
	[tilespmem:$0x1A0] =	vst v19  }
0x37: {  	s4 =	simm.s32 $0x300;
	[tilespmem:$0x1D0] =	vst v16  }
0x38: {  	[tilespmem:s4], [sflag:$0x1] =	stream.indirect_vreg.gather [hbm4b:s1+s5], $0x80, v20, vm0, $0xb8;
	[tilespmem:$0xF400] =	vst v63  }
0x39: {  	s10 =	simm.s32 $0xB00  }
0x3a: {  	[tilespmem:s10], [sflag:$0x1] =	stream.indirect_vreg.gather [hbm4b:s1+s5], $0x80, v18, vm0, $0xb8;
	[tilespmem:$0xF400] =	vst v63  }
0x3b: {  	v16 =	vld [tilespmem:$0x110];
	_ =	sdelay $0x4  }
0x3c: {  	v18 =	vshll.u32 v16, $0x1  }
0x3d: {  	v16 =	vand.u32 $0x7, v16;
	v18 =	vand.u32 $0xFFFFFFF0, v18  }
0x3e: {  	v16 =	vor.u32 v16, v18  }
0x3f: {  	v18 =	vperm.xlane v16, v11;
	_ =	sdelay $0x1  }
0x40: {  	v16 =	vperm.xlane v16, v13;
	v18 =	vadd.s32 v12, v18;
	_ =	sdelay $0x1  }
0x41: {  	v16 =	vadd.s32 v12, v16;
	_ =	sdelay $0x1  }
0x42: {  	s11 =	simm.s32 $0x1300  }
0x43: {  	[tilespmem:s11], [sflag:$0x1] =	stream.indirect_vreg.gather [hbm4b:s1+s5], $0x80, v18, vm0, $0xb8;
	[tilespmem:$0xF400] =	vst v63  }
0x44: {  	s12 =	simm.s32 $0x1B00  }
0x45: {  	[tilespmem:s12], [sflag:$0x1] =	stream.indirect_vreg.gather [hbm4b:s1+s5], $0x80, v16, vm0, $0xb8;
	[tilespmem:$0xF400] =	vst v63  }
0x46: {  	v16 =	vld.msk [tilespmem:$0x120], $0xff;
	_ =	sdelay $0x4  }
0x47: {  	v18 =	vshll.u32 v16, $0x1  }
0x48: {  	v16 =	vand.u32 $0x7, v16;
	v18 =	vand.u32 $0xFFFFFFF0, v18  }
0x49: {  	v16 =	vor.u32 v16, v18  }
0x4a: {  	v16 =	vperm.xlane v16, v11;
	_ =	sdelay $0x1  }
0x4b: {  	v16 =	vadd.s32 v12, v16;
	_ =	sdelay $0x3  }
0x4c: {  	s13 =	simm.s32 $0x2300  }
0x4d: {  	[tilespmem:s13], [sflag:$0x1] =	stream.indirect_vreg.gather [hbm4b:s1+s5], $0x80, v16, vm0, $0xb8;
	[tilespmem:$0xF400] =	vst v63  }
0x4e: {  	v16 =	vld [tilespmem:$0x180];
	_ =	sdelay $0x4  }
0x4f: {  	v18 =	vshll.u32 v16, $0x1  }
0x50: {  	v16 =	vand.u32 $0x7, v16;
	v18 =	vand.u32 $0xFFFFFFF0, v18  }
0x51: {  	v16 =	vor.u32 v16, v18  }
0x52: {  	v18 =	vperm.xlane v16, v11;
	_ =	sdelay $0x1  }
0x53: {  	v16 =	vperm.xlane v16, v13;
	v18 =	vadd.s32 v12, v18;
	_ =	sdelay $0x1  }
0x54: {  	v16 =	vadd.s32 v12, v16;
	_ =	sdelay $0x1  }
0x55: {  	s14 =	simm.s32 $0x2B00  }
0x56: {  	[tilespmem:s14], [sflag:$0x1] =	stream.indirect_vreg.gather [hbm4b:s2+s5], $0x80, v18, vm0, $0xb8;
	[tilespmem:$0xF400] =	vst v63  }
0x57: {  	s15 =	simm.s32 $0x3300  }
0x58: {  	[tilespmem:s15], [sflag:$0x1] =	stream.indirect_vreg.gather [hbm4b:s2+s5], $0x80, v16, vm0, $0xb8;
	[tilespmem:$0xF400] =	vst v63  }
0x59: {  	v16 =	vld [tilespmem:$0x190];
	_ =	sdelay $0x4  }
0x5a: {  	v18 =	vshll.u32 v16, $0x1  }
0x5b: {  	v16 =	vand.u32 $0x7, v16;
	v18 =	vand.u32 $0xFFFFFFF0, v18  }
0x5c: {  	v16 =	vor.u32 v16, v18  }
0x5d: {  	v18 =	vperm.xlane v16, v11;
	_ =	sdelay $0x1  }
0x5e: {  	v16 =	vperm.xlane v16, v13;
	v18 =	vadd.s32 v12, v18;
	_ =	sdelay $0x1  }
0x5f: {  	v16 =	vadd.s32 v12, v16;
	_ =	sdelay $0x1  }
0x60: {  	s19 =	simm.s32 $0x3B00  }
0x61: {  	[tilespmem:s19], [sflag:$0x1] =	stream.indirect_vreg.gather [hbm4b:s2+s5], $0x80, v18, vm0, $0xb8;
	[tilespmem:$0xF400] =	vst v63  }
0x62: {  	s21 =	simm.s32 $0x4300  }
0x63: {  	[tilespmem:s21], [sflag:$0x1] =	stream.indirect_vreg.gather [hbm4b:s2+s5], $0x80, v16, vm0, $0xb8;
	[tilespmem:$0xF400] =	vst v63  }
0x64: {  	v16 =	vld.msk [tilespmem:$0x1A0], $0xff;
	_ =	sdelay $0x4  }
0x65: {  	v18 =	vshll.u32 v16, $0x1  }
0x66: {  	v16 =	vand.u32 $0x7, v16;
	v18 =	vand.u32 $0xFFFFFFF0, v18  }
0x67: {  	v16 =	vor.u32 v16, v18  }
0x68: {  	v16 =	vperm.xlane v16, v11;
	_ =	sdelay $0x1  }
0x69: {  	v16 =	vadd.s32 v12, v16;
	_ =	sdelay $0x3  }
0x6a: {  	s23 =	simm.s32 $0x4B00  }
0x6b: {  	[tilespmem:s23], [sflag:$0x1] =	stream.indirect_vreg.gather [hbm4b:s2+s5], $0x80, v16, vm0, $0xb8;
	[tilespmem:$0xF400] =	vst v63  }
0x6c: {  	v16 =	vld [tilespmem:$0x1B0];
	_ =	sdelay $0x4  }
0x6d: {  	v18 =	vshll.u32 v16, $0x1  }
0x6e: {  	v16 =	vand.u32 $0x7, v16;
	v18 =	vand.u32 $0xFFFFFFF0, v18  }
0x6f: {  	v16 =	vor.u32 v16, v18  }
0x70: {  	v18 =	vperm.xlane v16, v11;
	_ =	sdelay $0x1  }
0x71: {  	v16 =	vperm.xlane v16, v13;
	v18 =	vadd.s32 v12, v18;
	_ =	sdelay $0x1  }
0x72: {  	v16 =	vadd.s32 v12, v16;
	_ =	sdelay $0x1  }
0x73: {  	s24 =	simm.s32 $0x5300  }
0x74: {  	[tilespmem:s24], [sflag:$0x1] =	stream.indirect_vreg.gather [hbm4b:s2+s5], $0x80, v18, vm0, $0xb8;
	[tilespmem:$0xF400] =	vst v63  }
0x75: {  	s25 =	simm.s32 $0x5B00  }
0x76: {  	[tilespmem:s25], [sflag:$0x1] =	stream.indirect_vreg.gather [hbm4b:s2+s5], $0x80, v16, vm0, $0xb8;
	[tilespmem:$0xF400] =	vst v63  }
0x77: {  	v16 =	vld [tilespmem:$0x1C0];
	_ =	sdelay $0x4  }
0x78: {  	v18 =	vshll.u32 v16, $0x1  }
0x79: {  	v16 =	vand.u32 $0x7, v16;
	v18 =	vand.u32 $0xFFFFFFF0, v18  }
0x7a: {  	v16 =	vor.u32 v16, v18  }
0x7b: {  	v18 =	vperm.xlane v16, v11;
	_ =	sdelay $0x1  }
0x7c: {  	v16 =	vperm.xlane v16, v13;
	v18 =	vadd.s32 v12, v18;
	_ =	sdelay $0x1  }
0x7d: {  	v16 =	vadd.s32 v12, v16;
	_ =	sdelay $0x1  }
0x7e: {  	s26 =	simm.s32 $0x6300  }
0x7f: {  	[tilespmem:s26], [sflag:$0x1] =	stream.indirect_vreg.gather [hbm4b:s2+s5], $0x80, v18, vm0, $0xb8;
	[tilespmem:$0xF400] =	vst v63  }
0x80: {  	s3 =	simm.s32 $0x6B00  }
0x81: {  	[tilespmem:s3], [sflag:$0x1] =	stream.indirect_vreg.gather [hbm4b:s2+s5], $0x80, v16, vm0, $0xb8;
	[tilespmem:$0xF400] =	vst v63  }
0x82: {  	v16 =	vld.msk [tilespmem:$0x1D0], $0xff;
	_ =	sdelay $0x4  }
0x83: {  	v18 =	vshll.u32 v16, $0x1  }
0x84: {  	v16 =	vand.u32 $0x7, v16;
	v18 =	vand.u32 $0xFFFFFFF0, v18  }
0x85: {  	v16 =	vor.u32 v16, v18  }
0x86: {  	v16 =	vperm.xlane v16, v11;
	_ =	sdelay $0x1  }
0x87: {  	v16 =	vadd.s32 v12, v16;
	_ =	sdelay $0x3  }
0x88: {  	s4 =	simm.s32 $0x7300  }
0x89: {  	[tilespmem:s4], [sflag:$0x1] =	stream.indirect_vreg.gather [hbm4b:s2+s5], $0x80, v16, vm0, $0xb8;
	[tilespmem:$0xF400] =	vst v63  }
0x8a: {  	v16 =	vld [tilespmem:s6+$0x0];
	_ =	sdelay $0x3  }
0x8b: {  	v17 =	vmul.f32 v1, v17  }
0x8c: {  	v16 =	vmul.f32 v5, v16  }
0x8d: {  	(xrf2) =	vadd.scan.msk.f32 $0xffff, v17  }
0x8e: {  	(xrf2) =	vadd.scan.msk.f32 $0xffff, v16;
	_ =	sdelay $0x8  }
0x8f: {  	v16, _, _ =	vpop (xrf2)  }
0x90: {  	(v2sf) =	vpush v16, $0xF;
	v16, _, _ =	vpop (xrf2)  }
0x91: {  	(v2sf) =	vpush v16, $0xF;
	_ =	sdelay $0xd  }
0x92: {  	s23 =	spop (v2sf)  }
0x93: {  	s10 =	spop (v2sf)  }
0x94: {  	s19 =	smul.f32 $2.550000000e+02, s10;
	_ =	sdelay $0x1  }
0x95: {  	s21 =	sadd.f32 $-1.600000000e+01, s19;
	_ =	sdelay $0x1  }
0x96: {  	s21 =	smax.f32 s21, $0.0e+00  }
0x97: {  	s21 =	scvt.f32.s32 s21;
	_ =	sdelay $0x1  }
0x98: {  	v16 =	vadd.s32 s21, v0  }
0x99: {  	vm2 =	vlt.s32 v16, $0xFF  }
0x9a: {  	v17 =	vnsel vm2, $0xFF, v16  }
0x9b: {  	v18 =	vadd.s32 v6, v17  }
0x9c: {  	v16 =	vld [tilespmem:s6+$0x80];
	[tilespmem:$0x200] =	vst v18  }
0x9d: {  	v18 =	vld [tilespmem:$0x200];
	_ =	sdelay $0x3  }
0x9e: {  	v20 =	vadd.s32 s21, v9  }
0x9f: {  	vm2 =	vlt.s32 v20, $0xFF;
	v21 =	vshll.u32 v18, $0x1  }
0xa0: {  	v19 =	vadd.s32 v7, v17;
	v18 =	vand.u32 $0x7, v18;
	v21 =	vand.u32 $0xFFFFFFF0, v21  }
0xa1: {  	v17 =	vadd.s32 v8, v17;
	[tilespmem:$0x280] =	vst v19;
	v19 =	vnsel vm2, $0xFF, v20;
	v18 =	vor.u32 v18, v21  }
0xa2: {  	[tilespmem:$0x2B0] =	vst v17;
	v20 =	vadd.s32 s21, v10;
	v17 =	vadd.s32 v6, v19;
	v21 =	vperm.xlane v18, v11  }
0xa3: {  	vm2 =	vlt.s32 v20, $0xFF;
	[tilespmem:$0x210] =	vst v17;
	v17 =	vadd.s32 v7, v19;
	v19 =	vadd.s32 v8, v19  }
0xa4: {  	[tilespmem:$0x290] =	vst v17;
	v17 =	vnsel vm2, $0xFF, v20;
	v18 =	vperm.xlane v18, v13;
	v20 =	vadd.s32 v12, v21  }
0xa5: {  	[tilespmem:$0x2C0] =	vst v19;
	v19 =	vadd.s32 v6, v17  }
0xa6: {  	[tilespmem:$0x220] =	vst v19;
	v19 =	vadd.s32 v7, v17;
	v18 =	vadd.s32 v12, v18  }
0xa7: {  	v17 =	vadd.s32 v8, v17;
	[tilespmem:$0x2A0] =	vst v19  }
0xa8: {  	s11 =	simm.s32 $0x7B00;
	[tilespmem:$0x2D0] =	vst v17  }
0xa9: {  	[tilespmem:s11], [sflag:$0x1] =	stream.indirect_vreg.gather [hbm4b:s1+s5], $0x80, v20, vm0, $0xb8;
	[tilespmem:$0xF400] =	vst v63  }
0xaa: {  	s12 =	simm.s32 $0x8300  }
0xab: {  	[tilespmem:s12], [sflag:$0x1] =	stream.indirect_vreg.gather [hbm4b:s1+s5], $0x80, v18, vm0, $0xb8;
	[tilespmem:$0xF400] =	vst v63  }
0xac: {  	v17 =	vld [tilespmem:$0x210];
	_ =	sdelay $0x4  }
0xad: {  	v18 =	vshll.u32 v17, $0x1  }
0xae: {  	v17 =	vand.u32 $0x7, v17;
	v18 =	vand.u32 $0xFFFFFFF0, v18  }
0xaf: {  	v17 =	vor.u32 v17, v18  }
0xb0: {  	v18 =	vperm.xlane v17, v11;
	_ =	sdelay $0x1  }
0xb1: {  	v17 =	vperm.xlane v17, v13;
	v18 =	vadd.s32 v12, v18;
	_ =	sdelay $0x1  }
0xb2: {  	v17 =	vadd.s32 v12, v17;
	_ =	sdelay $0x1  }
0xb3: {  	s13 =	simm.s32 $0x8B00  }
0xb4: {  	[tilespmem:s13], [sflag:$0x1] =	stream.indirect_vreg.gather [hbm4b:s1+s5], $0x80, v18, vm0, $0xb8;
	[tilespmem:$0xF400] =	vst v63  }
0xb5: {  	s14 =	simm.s32 $0x9300  }
0xb6: {  	[tilespmem:s14], [sflag:$0x1] =	stream.indirect_vreg.gather [hbm4b:s1+s5], $0x80, v17, vm0, $0xb8;
	[tilespmem:$0xF400] =	vst v63  }
0xb7: {  	v17 =	vld.msk [tilespmem:$0x220], $0xff;
	_ =	sdelay $0x4  }
0xb8: {  	v18 =	vshll.u32 v17, $0x1  }
0xb9: {  	v17 =	vand.u32 $0x7, v17;
	v18 =	vand.u32 $0xFFFFFFF0, v18  }
0xba: {  	v17 =	vor.u32 v17, v18  }
0xbb: {  	v17 =	vperm.xlane v17, v11;
	_ =	sdelay $0x1  }
0xbc: {  	v17 =	vadd.s32 v12, v17;
	_ =	sdelay $0x3  }
0xbd: {  	s15 =	simm.s32 $0x9B00  }
0xbe: {  	[tilespmem:s15], [sflag:$0x1] =	stream.indirect_vreg.gather [hbm4b:s1+s5], $0x80, v17, vm0, $0xb8;
	[tilespmem:$0xF400] =	vst v63  }
0xbf: {  	v17 =	vld [tilespmem:$0x280];
	_ =	sdelay $0x4  }
0xc0: {  	v18 =	vshll.u32 v17, $0x1  }
0xc1: {  	v17 =	vand.u32 $0x7, v17;
	v18 =	vand.u32 $0xFFFFFFF0, v18  }
0xc2: {  	v17 =	vor.u32 v17, v18  }
0xc3: {  	v18 =	vperm.xlane v17, v11;
	_ =	sdelay $0x1  }
0xc4: {  	v17 =	vperm.xlane v17, v13;
	v18 =	vadd.s32 v12, v18;
	_ =	sdelay $0x1  }
0xc5: {  	v17 =	vadd.s32 v12, v17;
	_ =	sdelay $0x1  }
0xc6: {  	s24 =	simm.s32 $0xA300  }
0xc7: {  	[tilespmem:s24], [sflag:$0x1] =	stream.indirect_vreg.gather [hbm4b:s2+s5], $0x80, v18, vm0, $0xb8;
	[tilespmem:$0xF400] =	vst v63  }
0xc8: {  	s25 =	simm.s32 $0xAB00  }
0xc9: {  	[tilespmem:s25], [sflag:$0x1] =	stream.indirect_vreg.gather [hbm4b:s2+s5], $0x80, v17, vm0, $0xb8;
	[tilespmem:$0xF400] =	vst v63  }
0xca: {  	v17 =	vld [tilespmem:$0x290];
	_ =	sdelay $0x4  }
0xcb: {  	v18 =	vshll.u32 v17, $0x1  }
0xcc: {  	v17 =	vand.u32 $0x7, v17;
	v18 =	vand.u32 $0xFFFFFFF0, v18  }
0xcd: {  	v17 =	vor.u32 v17, v18  }
0xce: {  	v18 =	vperm.xlane v17, v11;
	_ =	sdelay $0x1  }
0xcf: {  	v17 =	vperm.xlane v17, v13;
	v18 =	vadd.s32 v12, v18;
	_ =	sdelay $0x1  }
0xd0: {  	v17 =	vadd.s32 v12, v17;
	_ =	sdelay $0x1  }
0xd1: {  	s26 =	simm.s32 $0xB300  }
0xd2: {  	[tilespmem:s26], [sflag:$0x1] =	stream.indirect_vreg.gather [hbm4b:s2+s5], $0x80, v18, vm0, $0xb8;
	[tilespmem:$0xF400] =	vst v63  }
0xd3: {  	s3 =	simm.s32 $0xBB00  }
0xd4: {  	[tilespmem:s3], [sflag:$0x1] =	stream.indirect_vreg.gather [hbm4b:s2+s5], $0x80, v17, vm0, $0xb8;
	[tilespmem:$0xF400] =	vst v63  }
0xd5: {  	v17 =	vld.msk [tilespmem:$0x2A0], $0xff;
	_ =	sdelay $0x4  }
0xd6: {  	v18 =	vshll.u32 v17, $0x1  }
0xd7: {  	v17 =	vand.u32 $0x7, v17;
	v18 =	vand.u32 $0xFFFFFFF0, v18  }
0xd8: {  	v17 =	vor.u32 v17, v18  }
0xd9: {  	v17 =	vperm.xlane v17, v11;
	_ =	sdelay $0x1  }
0xda: {  	v17 =	vadd.s32 v12, v17;
	_ =	sdelay $0x3  }
0xdb: {  	s4 =	simm.s32 $0xC300  }
0xdc: {  	[tilespmem:s4], [sflag:$0x1] =	stream.indirect_vreg.gather [hbm4b:s2+s5], $0x80, v17, vm0, $0xb8;
	[tilespmem:$0xF400] =	vst v63  }
0xdd: {  	v17 =	vld [tilespmem:$0x2B0];
	_ =	sdelay $0x4  }
0xde: {  	v18 =	vshll.u32 v17, $0x1  }
0xdf: {  	v17 =	vand.u32 $0x7, v17;
	v18 =	vand.u32 $0xFFFFFFF0, v18  }
0xe0: {  	v17 =	vor.u32 v17, v18  }
0xe1: {  	v18 =	vperm.xlane v17, v11;
	_ =	sdelay $0x1  }
0xe2: {  	v17 =	vperm.xlane v17, v13;
	v18 =	vadd.s32 v12, v18;
	_ =	sdelay $0x1  }
0xe3: {  	v17 =	vadd.s32 v12, v17;
	_ =	sdelay $0x1  }
0xe4: {  	s10 =	simm.s32 $0xCB00  }
0xe5: {  	[tilespmem:s10], [sflag:$0x1] =	stream.indirect_vreg.gather [hbm4b:s2+s5], $0x80, v18, vm0, $0xb8;
	[tilespmem:$0xF400] =	vst v63  }
0xe6: {  	s11 =	simm.s32 $0xD300  }
0xe7: {  	[tilespmem:s11], [sflag:$0x1] =	stream.indirect_vreg.gather [hbm4b:s2+s5], $0x80, v17, vm0, $0xb8;
	[tilespmem:$0xF400] =	vst v63  }
0xe8: {  	v17 =	vld [tilespmem:$0x2C0];
	_ =	sdelay $0x4  }
0xe9: {  	v18 =	vshll.u32 v17, $0x1  }
0xea: {  	v17 =	vand.u32 $0x7, v17;
	v18 =	vand.u32 $0xFFFFFFF0, v18  }
0xeb: {  	v17 =	vor.u32 v17, v18  }
0xec: {  	v18 =	vperm.xlane v17, v11;
	_ =	sdelay $0x1  }
0xed: {  	v17 =	vperm.xlane v17, v13;
	v18 =	vadd.s32 v12, v18;
	_ =	sdelay $0x1  }
0xee: {  	v17 =	vadd.s32 v12, v17;
	_ =	sdelay $0x1  }
0xef: {  	s12 =	simm.s32 $0xDB00  }
0xf0: {  	[tilespmem:s12], [sflag:$0x1] =	stream.indirect_vreg.gather [hbm4b:s2+s5], $0x80, v18, vm0, $0xb8;
	[tilespmem:$0xF400] =	vst v63  }
0xf1: {  	s13 =	simm.s32 $0xE300  }
0xf2: {  	[tilespmem:s13], [sflag:$0x1] =	stream.indirect_vreg.gather [hbm4b:s2+s5], $0x80, v17, vm0, $0xb8;
	[tilespmem:$0xF400] =	vst v63  }
0xf3: {  	v17 =	vld.msk [tilespmem:$0x2D0], $0xff;
	_ =	sdelay $0x4  }
0xf4: {  	v18 =	vshll.u32 v17, $0x1  }
0xf5: {  	v17 =	vand.u32 $0x7, v17;
	v18 =	vand.u32 $0xFFFFFFF0, v18  }
0xf6: {  	s28 =	smul.f32 $2.550000000e+02, s23;
	v17 =	vor.u32 v17, v18  }
0xf7: {  	v17 =	vperm.xlane v17, v11  }
0xf8: {  	s23 =	sadd.f32 $-1.600000000e+01, s28  }
0xf9: {  	v17 =	vadd.s32 v12, v17  }
0xfa: {  	s23 =	smax.f32 s23, $0.0e+00  }
0xfb: {  	s23 =	scvt.f32.s32 s23;
	_ =	sdelay $0x1  }
0xfc: {  	s23 =	sand.u32 $0xFFFFFFF0, s23;
	s14 =	simm.s32 $0xEB00  }
0xfd: {  	[tilespmem:s14], [sflag:$0x1] =	stream.indirect_vreg.gather [hbm4b:s2+s5], $0x80, v17, vm0, $0xb8;
	[tilespmem:$0xF400] =	vst v63  }
0xfe: {  	s29 =	sand.u32 $0x380, s5;
	p0 =	slt.s32 s23, $0xD0;
	_ =	swait.ge [sflag:s16], $0x2800  }
0xff: {  	s22 =	scvt.s32.f32 s22;
	s23 =	simm.s32 @!p0 $0xD0;
	[sflag:s16] =	ssyncset.done $0x0  }
0x100: {  	s31 =	scvt.s32.f32 s23;
	s25 =	sadd.s32 $0x10, s23;
	[sflag:s16] =	ssyncadd.s32 $0xFFFFD800  }
0x101: {  	s24 =	sshll.u32 s23, $0x3;
	s0 =	scvt.s32.f32 s25;
	_ =	swait.ge [sflag:s16], $0x2800  }
0x102: {  	s3 =	sadd.s32 $0x20, s23;
	s4 =	sand.u32 $0x3800, s5;
	[sflag:s16] =	ssyncset.done $0x0  }
0x103: {  	s26 =	scvt.s32.f32 s3;
	s30 =	sadd.s32 $0x5300, s4;
	[sflag:s16] =	ssyncadd.s32 $0xFFFFD800  }
0x104: {  	s11 =	scvt.s32.f32 s5;
	_ =	swait.ge [sflag:s16], $0x2800;
	[dreg:$0x5] =	wrdreg s22  }
0x105: {  	v23 =	vadd.f32 s0, v14;
	s22 =	sand.u32 $0x70, s23;
	s23 =	sand.u32 $0xFFFFFC00, s24;
	s24 =	sand.u32 $0x70, s25  }
0x106: {  	s25 =	sshll.u32 s25, $0x3;
	v18 =	vmov s22;
	s10 =	rddreg [dreg:$0x5];
	s15 =	sadd.s32 s23, s4  }
0x107: {  	v27 =	vsub.f32 s28, v23;
	v17 =	vadd.f32 s26, v14;
	[sflag:s16] =	ssyncset.done $0x0;
	s10 =	sadd.f32 s11, s10;
	s11 =	sor.u32 s29, s15  }
0x108: {  	s25 =	sand.u32 $0xFFFFFC00, s25;
	[sflag:s16] =	ssyncadd.s32 $0xFFFFD800;
	s11 =	sor.u32 s22, s11  }
0x109: {  	v30 =	vand.u32 $0x7FFFFFFF, v27;
	v19 =	vsub.f32 s28, v17;
	s12 =	sadd.s32 s23, s30;
	v20 =	vmov s24;
	s14 =	sadd.s32 s25, s4;
	v17 =	vld [tilespmem:s11+$0x300]  }
0x10a: {  	v22 =	vadd.f32 s31, v14;
	vm5 =	vle.f32 v30, $1.600000000e+01;
	s13 =	sshll.u32 s3, $0x3;
	s12 =	sadd.s32 s29, s12;
	s14 =	sor.u32 s29, s14;
	v30 =	vld [tilespmem:s11+$0x2B00]  }
0x10b: {  	s26 =	sand.u32 $0xFFFFFC00, s13;
	s15 =	ssub.f32 s20, s10;
	v21 =	vld.idx.msk [tilespmem:v18+s12+$0x0 ss:$0x1], $0xffff;
	s12 =	sor.u32 s24, s14  }
0x10c: {  	v26 =	vsub.f32 s28, v22;
	s28 =	sand.u32 $0x70, s3;
	s4 =	sadd.s32 s26, s4;
	s14 =	sadd.s32 s25, s30;
	v24 =	vld [tilespmem:s12+$0x300]  }
0x10d: {  	s4 =	sor.u32 s29, s4;
	s0 =	sadd.s32 s29, s14;
	s14 =	sand.u32 $0x7FFFFFFF, s15;
	v25 =	vld [tilespmem:s12+$0x2B00]  }
0x10e: {  	v29 =	vand.u32 $0x7FFFFFFF, v26;
	p1 =	sle.f32 s10, $2.550000000e+02;
	v22 =	vld.idx.msk [tilespmem:v20+s0+$0x0 ss:$0x1], $0xffff;
	p6 =	sle.f32 s14, $1.600000000e+01;
	s0 =	sor.u32 s28, s4  }
0x10f: {  	vm8 =	vmmov vm1;
	vm6 =	vle.f32 v29, $1.600000000e+01;
	v28 =	vand.u32 $0x7FFFFFFF, v19;
	v32 =	vld [tilespmem:s0+$0x300]  }
0x110: {  	vm4 =	vle.f32 v28, $1.600000000e+01;
	v23 =	vmov s15;
	v34 =	vld [tilespmem:s0+$0x2B00];
	vm3 =	vgt.f32 v17, $0.0e+00;
	p0 =	por !p1, !p6  }
0x111: {  	v28 =	vmov s28;
	v35 =	vsub.f32 v30, v23;
	vm3 =	vmand vm6, vm3;
	p0 =	por !p0, !p0  }
0x112: {  	v31 =	vsub.f32 v21, v26;
	vm2 =	vgt.f32 v24, $0.0e+00;
	vm8 =	vmneg @p0 vm8  }
0x113: {  	v33 =	vsub.f32 v25, v23;
	vm2 =	vmand vm5, vm2;
	v17 =	vsub.f32 v22, v27  }
0x114: {  	v24 =	vmul.f32 $5.000000000e-01, v31;
	vm7 =	vmand vm8, vm2;
	vm2 =	vmand vm8, vm3  }
0x115: {  	vm3 =	vgt.f32 v32, $0.0e+00;
	v22 =	vsub.f32 v34, v23;
	v39 =	vand.u32 $0x7FFFFFFF, v33  }
0x116: {  	v40 =	vmul.f32 $5.000000000e-01, v33;
	v23 =	vimm.f32 $0.0e+00;
	v21 =	vmul.f32 $5.000000000e-01, v17  }
0x117: {  	v25 =	vand.u32 $0x7FFFFFFF, v17;
	v32 =	vmul.f32 v24, v31;
	vm3 =	vmand vm4, vm3  }
0x118: {  	v36 =	vadd.f32 $-5.000000000e-01, v39;
	v30 =	vsel vm7, $0x3F800000, v15;
	v24 =	vimm.f32 $0.0e+00  }
0x119: {  	v29 =	vadd.f32 $-5.000000000e-01, v25;
	vm9 =	vlt.f32 v25, $1.000000000e+00;
	v25 =	vmul.f32 $5.000000000e-01, v22  }
0x11a: {  	v37 =	vand.u32 $0x7FFFFFFF, v22;
	vm3 =	vmand vm8, vm3;
	v17 =	vmul.f32 v21, v17  }
0x11b: {  	s15 =	sadd.s32 s26, s30;
	v21 =	vsel vm2, $0x3F800000, v15;
	vm8 =	vlt.f32 v37, $1.000000000e+00;
	v38 =	vmul.f32 v25, v22  }
0x11c: {  	s0 =	sadd.s32 s29, s15;
	v25 =	vimm.f32 $0.0e+00;
	v22 =	vimm.f32 $0.0e+00;
	v34 =	vsel vm9, v17, v29  }
0x11d: {  	s31 =	simm.s32 $0x100;
	s30 =	simm.s32 $0x80;
	s29 =	simm.s32 $0x1;
	v41 =	vld.idx.msk [tilespmem:v28+s0+$0x0 ss:$0x1], $0xffff;
	v17 =	vadd.f32 v21, v15;
	v29 =	vsel vm3, $0x3F800000, v15;
	v21 =	vimm.f32 $0.0e+00  }
.LBB2_2:
0x11e: {  	s3 =	sand.u32 $0x3800, s31  }
0x11f: {  	s0 =	rddreg [dreg:$0x5];
	s11 =	sadd.s32 $0x5300, s3  }
0x120: {  	s4 =	sand.u32 $0x380, s30;
	vm9 =	vlt.f32 v39, $1.000000000e+00;
	v37 =	vadd.f32 $-5.000000000e-01, v37;
	s10 =	scvt.s32.f32 s29;
	v31 =	vand.u32 $0x7FFFFFFF, v31;
	s13 =	sadd.s32 s23, s11  }
0x121: {  	v22 =	vadd.f32 v30, v22;
	v21 =	vadd.f32 v29, v21;
	s12 =	sadd.s32 s25, s3;
	v46 =	vmul.f32 $5.000000000e-01, v35;
	s14 =	sadd.s32 s25, s11;
	s13 =	sadd.s32 s4, s13  }
0x122: {  	v33 =	vmul.f32 v40, v33;
	s15 =	sadd.s32 s26, s3;
	v47 =	vand.u32 $0x7FFFFFFF, v35;
	v42 =	vadd.f32 $-5.000000000e-01, v31;
	s12 =	sor.u32 s4, s12;
	s14 =	sadd.s32 s4, s14;
	v50 =	vld.idx.msk [tilespmem:v18+s13+$0x0 ss:$0x1], $0xffff  }
0x123: {  	v37 =	vsel vm8, v38, v37;
	s0 =	sadd.f32 s10, s0;
	s10 =	sadd.s32 s26, s11;
	vm8 =	vlt.f32 v31, $1.000000000e+00;
	v53 =	vadd.f32 $-5.000000000e-01, v47;
	s11 =	sor.u32 s24, s12;
	v52 =	vld.idx.msk [tilespmem:v20+s14+$0x0 ss:$0x1], $0xffff  }
0x124: {  	s15 =	sor.u32 s4, s15;
	v48 =	vmul.f32 v46, v35;
	v33 =	vsel vm9, v33, v36;
	v45 =	vsub.f32 v41, v19;
	v54 =	vld [tilespmem:s11+$0x300]  }
0x125: {  	v32 =	vsel vm8, v32, v42;
	vm8 =	vlt.f32 v47, $1.000000000e+00;
	v31 =	vadd.f32 v34, v33;
	s13 =	ssub.f32 s20, s0;
	s14 =	sor.u32 s28, s15;
	v58 =	vld [tilespmem:s11+$0x2B00]  }
0x126: {  	v35 =	vsel vm8, v48, v53;
	v59 =	vld [tilespmem:s14+$0x2B00];
	vm8 =	vmmov vm1;
	v49 =	vmul.f32 $5.000000000e-01, v45  }
0x127: {  	s3 =	sadd.s32 s23, s3;
	v51 =	vand.u32 $0x7FFFFFFF, v45;
	v31 =	vnsel vm7, $0x0, v31;
	s15 =	sand.u32 $0x7FFFFFFF, s13;
	v32 =	vadd.f32 v32, v35  }
0x128: {  	s3 =	sor.u32 s4, s3;
	p2 =	sle.f32 s0, $2.550000000e+02;
	v43 =	vmov s13;
	v55 =	vadd.f32 $-5.000000000e-01, v51;
	v25 =	vadd.f32 v31, v25;
	p1 =	sle.f32 s15, $1.600000000e+01  }
0x129: {  	s3 =	sor.u32 s22, s3;
	vm7 =	vlt.f32 v51, $1.000000000e+00;
	v36 =	vmul.f32 v49, v45;
	v32 =	vnsel vm2, $0x0, v32  }
0x12a: {  	v56 =	vld [tilespmem:s3+$0x300];
	p1 =	por !p2, !p1;
	vm2 =	vgt.f32 v54, $0.0e+00;
	v24 =	vadd.f32 v32, v24;
	v33 =	vsub.f32 v58, v43  }
0x12b: {  	v31 =	vsel vm7, v36, v55;
	p1 =	por !p1, !p1;
	vm2 =	vmand vm5, vm2;
	v35 =	vsub.f32 v59, v43  }
0x12c: {  	v60 =	vld [tilespmem:s3+$0x2B00];
	v30 =	vadd.f32 v31, v37;
	v31 =	vsub.f32 v50, v26;
	vm8 =	vmneg @p1 vm8  }
0x12d: {  	v57 =	vld [tilespmem:s14+$0x300];
	v39 =	vand.u32 $0x7FFFFFFF, v33;
	v40 =	vmul.f32 $5.000000000e-01, v33;
	vm7 =	vmand vm8, vm2  }
0x12e: {  	v37 =	vand.u32 $0x7FFFFFFF, v35;
	v63 =	vmul.f32 $5.000000000e-01, v35;
	v36 =	vadd.f32 $-5.000000000e-01, v39  }
0x12f: {  	v29 =	vnsel vm3, $0x0, v30;
	vm3 =	vgt.f32 v56, $0.0e+00;
	v30 =	vsub.f32 v52, v27  }
0x130: {  	v61 =	vmul.f32 $5.000000000e-01, v31;
	vm3 =	vmand vm6, vm3;
	v23 =	vadd.f32 v29, v23  }
0x131: {  	p0 =	sne.s32 s29, $0x20;
	v38 =	vmul.f32 v63, v35;
	v35 =	vsub.f32 v60, v43;
	v29 =	vmul.f32 $5.000000000e-01, v30  }
.Ltmp0:
0x132: {  	vm2 =	vmand vm8, vm3;
	vm3 =	vgt.f32 v57, $0.0e+00;
	v34 =	vand.u32 $0x7FFFFFFF, v30;
	(pc) =	sbr.rel @p0 .LBB2_2-.Ltmp0, $4  }
0x133: {  	v32 =	vmul.f32 v61, v31;
	v62 =	vadd.f32 $-5.000000000e-01, v34;
	vm9 =	vlt.f32 v34, $1.000000000e+00  }
0x134: {  	vm3 =	vmand vm4, vm3;
	v29 =	vmul.f32 v29, v30;
	v30 =	vsel vm2, $0x3F800000, v15  }
0x135: {  	s4 =	sadd.s32 s4, s10;
	vm3 =	vmand vm8, vm3;
	vm8 =	vlt.f32 v37, $1.000000000e+00;
	v17 =	vadd.f32 v30, v17  }
0x136: {  	s29 =	sadd.s32 $0x1, s29;
	s30 =	sadd.s32 $0x80, s30;
	s31 =	sadd.s32 $0x100, s31;
	v41 =	vld.idx.msk [tilespmem:v28+s4+$0x0 ss:$0x1], $0xffff;
	v30 =	vsel vm7, $0x3F800000, v15;
	v34 =	vsel vm9, v29, v62;
	v29 =	vsel vm3, $0x3F800000, v15  }
0x137: {  	v16 =	vmul.f32 v5, v16;
	_ =	sdelay $0x1  }
0x138: {  	(xrf2) =	vadd.scan.msk.f32 $0xffff, v16;
	_ =	sdelay $0x9  }
0x139: {  	v16, _, _ =	vpop (xrf2)  }
0x13a: {  	(v2sf) =	vpush v16, $0xF;
	_ =	sdelay $0xe  }
0x13b: {  	s0 =	spop (v2sf)  }
0x13c: {  	s26 =	smul.f32 $2.550000000e+02, s0;
	_ =	swait.ge [sflag:s16], $0x2800  }
0x13d: {  	[sflag:s16] =	ssyncset.done $0x0  }
0x13e: {  	s0 =	sadd.f32 $-1.600000000e+01, s26;
	[sflag:s16] =	ssyncadd.s32 $0xFFFFD800  }
0x13f: {  	_ =	swait.ge [sflag:s16], $0x2800  }
0x140: {  	v20 =	vand.u32 $0x7FFFFFFF, v31;
	v26 =	vmul.f32 v40, v33;
	v27 =	vand.u32 $0x7FFFFFFF, v35;
	s11 =	scvt.s32.f32 s21;
	s0 =	smax.f32 s0, $0.0e+00;
	[sflag:s16] =	ssyncset.done $0x0  }
0x141: {  	s15 =	simm.s32 $0x0;
	v18 =	vsub.f32 v41, v19;
	v19 =	vmul.f32 $5.000000000e-01, v35;
	v16 =	vadd.f32 $-5.000000000e-01, v37;
	s0 =	scvt.f32.s32 s0;
	[sflag:s16] =	ssyncadd.s32 $0xFFFFD800  }
0x142: {  	vm4 =	vlt.f32 v39, $1.000000000e+00;
	v28 =	vadd.f32 $-5.000000000e-01, v20;
	v59 =	vadd.f32 $-5.000000000e-01, v27;
	s28 =	sand.u32 $0x380, s15;
	_ =	swait.ge [sflag:s16], $0x2800  }
0x143: {  	v31 =	vsel vm8, v38, v16;
	v16 =	vmul.f32 v19, v35;
	v19 =	vsel vm4, v26, v36;
	[dreg:$0x6] =	wrdreg s11;
	s11 =	sand.u32 $0x3800, s15;
	s0 =	sand.u32 $0xFFFFFFF0, s0  }
0x144: {  	v26 =	vmul.f32 $5.000000000e-01, v18;
	vm4 =	vlt.f32 v20, $1.000000000e+00;
	v20 =	vand.u32 $0x7FFFFFFF, v18;
	[sflag:s16] =	ssyncset.done $0x0;
	s31 =	rddreg [dreg:$0x6];
	p0 =	slt.s32 s0, $0xD0  }
0x145: {  	v19 =	vadd.f32 v34, v19;
	v28 =	vsel vm4, v32, v28;
	vm4 =	vlt.f32 v27, $1.000000000e+00;
	s29 =	sadd.s32 $0xCB00, s11;
	[sflag:s16] =	ssyncadd.s32 $0xFFFFD800;
	s0 =	simm.s32 @!p0 $0xD0  }
0x146: {  	v18 =	vmul.f32 v26, v18;
	v26 =	vadd.f32 $-5.000000000e-01, v20;
	v27 =	vsel vm4, v16, v59;
	s3 =	scvt.s32.f32 s0;
	s4 =	sadd.s32 $0x10, s0;
	s20 =	sand.u32 $0x70, s0  }
0x147: {  	vm4 =	vlt.f32 v20, $1.000000000e+00;
	v20 =	vadd.f32 v28, v27;
	s10 =	sadd.s32 $0x20, s0;
	s0 =	sshll.u32 s0, $0x3;
	s12 =	scvt.s32.f32 s4;
	v16 =	vmov s20  }
0x148: {  	v19 =	vnsel vm7, $0x0, v19;
	v26 =	vsel vm4, v18, v26;
	s21 =	sand.u32 $0xFFFFFC00, s0;
	s14 =	sshll.u32 s4, $0x3;
	s30 =	sshll.u32 s10, $0x3  }
0x149: {  	v19 =	vadd.f32 v19, v25;
	v25 =	vadd.f32 v26, v31;
	v20 =	vnsel vm2, $0x0, v20;
	s22 =	sand.u32 $0x70, s4;
	s23 =	sand.u32 $0xFFFFFC00, s14;
	s25 =	sand.u32 $0xFFFFFC00, s30  }
0x14a: {  	v22 =	vadd.f32 v30, v22;
	v20 =	vadd.f32 v20, v24;
	v18 =	vmov s22;
	s14 =	scvt.s32.f32 s15;
	s30 =	sadd.s32 s21, s29;
	s15 =	sadd.s32 s23, s11  }
0x14b: {  	v24 =	vnsel vm3, $0x0, v25;
	v25 =	vadd.f32 v29, v21;
	s13 =	scvt.s32.f32 s10;
	v26 =	vadd.f32 s3, v14;
	s3 =	sadd.s32 s28, s30;
	s0 =	sor.u32 s28, s15  }
0x14c: {  	v19 =	vadd.f32 v19, v20;
	v27 =	vadd.f32 s12, v14;
	s4 =	sadd.f32 s14, s31;
	s0 =	sor.u32 s22, s0;
	v28 =	vld.idx.msk [tilespmem:v16+s3+$0x0 ss:$0x1], $0xffff  }
0x14d: {  	s24 =	sand.u32 $0x70, s10;
	s12 =	sadd.s32 s21, s11;
	v21 =	vadd.f32 s13, v14;
	s31 =	sadd.s32 s23, s29;
	v20 =	vsub.f32 s26, v26;
	v26 =	vld [tilespmem:s0+$0x7B00]  }
0x14e: {  	v23 =	vadd.f32 v24, v23;
	v24 =	vadd.f32 v22, v17;
	s10 =	sadd.s32 s28, s31;
	s3 =	sor.u32 s28, s12;
	s15 =	ssub.f32 s19, s4;
	v60 =	vld [tilespmem:s0+$0xA300]  }
0x14f: {  	vm7 =	vmmov vm1;
	v22 =	vsub.f32 s26, v27;
	v21 =	vsub.f32 s26, v21;
	v30 =	vld.idx.msk [tilespmem:v18+s10+$0x0 ss:$0x1], $0xffff;
	s3 =	sor.u32 s20, s3  }
0x150: {  	v17 =	vadd.f32 v23, v19;
	v23 =	vadd.f32 v25, v24;
	v19 =	vimm.f32 $0.0e+00;
	s11 =	sadd.s32 s25, s11;
	v27 =	vld [tilespmem:s3+$0x7B00];
	s30 =	sand.u32 $0x7FFFFFFF, s15  }
0x151: {  	s14 =	sor.u32 s28, s11;
	v24 =	vand.u32 $0x7FFFFFFF, v20;
	p1 =	sle.f32 s4, $2.550000000e+02;
	v29 =	vand.u32 $0x7FFFFFFF, v22;
	v31 =	vand.u32 $0x7FFFFFFF, v21;
	p6 =	sle.f32 s30, $1.600000000e+01  }
0x152: {  	s10 =	sor.u32 s24, s14;
	vm4 =	vle.f32 v24, $1.600000000e+01;
	v24 =	vmov s24;
	vm2 =	vle.f32 v31, $1.600000000e+01  }
0x153: {  	v25 =	vld [tilespmem:s10+$0x7B00];
	vm3 =	vle.f32 v29, $1.600000000e+01;
	v61 =	vmov s15;
	v29 =	vsub.f32 v28, v20;
	p0 =	por !p1, !p6  }
0x154: {  	v31 =	vld [tilespmem:s10+$0xA300];
	vm5 =	vgt.f32 v26, $0.0e+00;
	v32 =	vsub.f32 v60, v61;
	p0 =	por !p0, !p0;
	v26 =	vsub.f32 v30, v22  }
0x155: {  	vm5 =	vmand vm3, vm5;
	vm6 =	vgt.f32 v27, $0.0e+00;
	vm7 =	vmneg @p0 vm7  }
0x156: {  	v28 =	vmul.f32 $5.000000000e-01, v29;
	v36 =	vand.u32 $0x7FFFFFFF, v32;
	v40 =	vmul.f32 $5.000000000e-01, v32  }
0x157: {  	vm8 =	vmand vm4, vm6;
	vm6 =	vmand vm7, vm5;
	v27 =	vmul.f32 $5.000000000e-01, v26  }
0x158: {  	v30 =	vand.u32 $0x7FFFFFFF, v26;
	v38 =	vadd.f32 $-5.000000000e-01, v36;
	vm5 =	vmand vm7, vm8  }
0x159: {  	vm8 =	vgt.f32 v25, $0.0e+00;
	v25 =	vsub.f32 v31, v61;
	v63 =	vadd.f32 $-5.000000000e-01, v30  }
0x15a: {  	vm9 =	vlt.f32 v30, $1.000000000e+00;
	v31 =	vmul.f32 v28, v29;
	v26 =	vmul.f32 v27, v26;
	v27 =	vld [tilespmem:s3+$0xA300]  }
0x15b: {  	v62 =	vsel vm5, $0x3F800000, v15;
	vm8 =	vmand vm2, vm8;
	v35 =	vand.u32 $0x7FFFFFFF, v25  }
0x15c: {  	v30 =	vmul.f32 $5.000000000e-01, v25;
	v23 =	vadd.f32 v62, v23;
	vm7 =	vmand vm7, vm8  }
0x15d: {  	s31 =	sadd.s32 s25, s29;
	v33 =	vsel vm9, v26, v63;
	vm8 =	vlt.f32 v35, $1.000000000e+00;
	v28 =	vsel vm7, $0x3F800000, v15  }
0x15e: {  	s0 =	sadd.s32 s28, s31;
	v26 =	vimm.f32 $0.0e+00;
	v34 =	vmul.f32 v30, v25;
	v30 =	vsel vm6, $0x3F800000, v15  }
0x15f: {  	s26 =	simm.s32 $0x1;
	s29 =	simm.s32 $0x100;
	s28 =	simm.s32 $0x80;
	v39 =	vld.idx.msk [tilespmem:v24+s0+$0x0 ss:$0x1], $0xffff;
	v25 =	vimm.f32 $0.0e+00;
	v37 =	vsub.f32 v27, v61;
	v27 =	vimm.f32 $0.0e+00  }
.LBB2_4:
0x160: {  	s3 =	sand.u32 $0x3800, s29  }
0x161: {  	s4 =	sand.u32 $0x380, s28;
	s11 =	sadd.s32 $0xCB00, s3  }
0x162: {  	s12 =	sadd.s32 s23, s3;
	s15 =	sadd.s32 s25, s3;
	s13 =	sadd.s32 s21, s11  }
0x163: {  	vm9 =	vlt.f32 v36, $1.000000000e+00;
	v35 =	vadd.f32 $-5.000000000e-01, v35;
	v29 =	vand.u32 $0x7FFFFFFF, v29;
	s3 =	sadd.s32 s21, s3;
	s14 =	sadd.s32 s23, s11;
	s13 =	sadd.s32 s4, s13  }
0x164: {  	s10 =	scvt.s32.f32 s26;
	v47 =	vmul.f32 $5.000000000e-01, v37;
	v32 =	vmul.f32 v40, v32;
	v48 =	vand.u32 $0x7FFFFFFF, v37;
	s3 =	sor.u32 s4, s3;
	s14 =	sadd.s32 s4, s14;
	v51 =	vld.idx.msk [tilespmem:v16+s13+$0x0 ss:$0x1], $0xffff  }
0x165: {  	s0 =	rddreg [dreg:$0x6];
	v41 =	vadd.f32 $-5.000000000e-01, v29;
	v34 =	vsel vm8, v34, v35;
	vm8 =	vlt.f32 v29, $1.000000000e+00;
	s3 =	sor.u32 s20, s3;
	v53 =	vld.idx.msk [tilespmem:v18+s14+$0x0 ss:$0x1], $0xffff  }
0x166: {  	s12 =	sor.u32 s4, s12;
	s0 =	sadd.f32 s10, s0;
	v54 =	vadd.f32 $-5.000000000e-01, v48;
	v49 =	vmul.f32 v47, v37;
	v32 =	vsel vm9, v32, v38;
	v57 =	vld [tilespmem:s3+$0x7B00]  }
0x167: {  	v31 =	vsel vm8, v31, v41;
	vm8 =	vlt.f32 v48, $1.000000000e+00;
	v46 =	vsub.f32 v39, v21;
	s13 =	sadd.s32 s25, s11;
	s11 =	sor.u32 s22, s12;
	v61 =	vld [tilespmem:s3+$0xA300]  }
0x168: {  	v26 =	vadd.f32 v30, v26;
	v29 =	vadd.f32 v33, v32;
	s14 =	sor.u32 s4, s15;
	s15 =	ssub.f32 s19, s0;
	v55 =	vld [tilespmem:s11+$0x7B00];
	v35 =	vsel vm8, v49, v54  }
0x169: {  	v25 =	vadd.f32 v28, v25;
	v59 =	vld [tilespmem:s11+$0xA300];
	v50 =	vmul.f32 $5.000000000e-01, v46;
	v31 =	vadd.f32 v31, v35  }
0x16a: {  	s30 =	sor.u32 s24, s14;
	v52 =	vand.u32 $0x7FFFFFFF, v46;
	v29 =	vnsel vm6, $0x0, v29;
	v42 =	vmov s15  }
0x16b: {  	v60 =	vld [tilespmem:s30+$0xA300];
	v56 =	vadd.f32 $-5.000000000e-01, v52;
	v36 =	vmul.f32 v50, v46;
	v31 =	vnsel vm5, $0x0, v31  }
0x16c: {  	v19 =	vadd.f32 v29, v19;
	vm6 =	vlt.f32 v52, $1.000000000e+00;
	v17 =	vadd.f32 v31, v17  }
0x16d: {  	v37 =	vsub.f32 v61, v42;
	v29 =	vsel vm6, v36, v56;
	vm5 =	vgt.f32 v55, $0.0e+00  }
0x16e: {  	s31 =	sand.u32 $0x7FFFFFFF, s15;
	vm6 =	vgt.f32 v57, $0.0e+00;
	v32 =	vsub.f32 v59, v42;
	v30 =	vadd.f32 v29, v34  }
0x16f: {  	p2 =	sle.f32 s0, $2.550000000e+02;
	p1 =	sle.f32 s31, $1.600000000e+01;
	v29 =	vsub.f32 v51, v20;
	vm5 =	vmand vm3, vm5;
	vm8 =	vmand vm4, vm6  }
0x170: {  	v58 =	vld [tilespmem:s30+$0x7B00];
	v34 =	vsub.f32 v60, v42;
	v36 =	vand.u32 $0x7FFFFFFF, v32;
	v40 =	vmul.f32 $5.000000000e-01, v32  }
0x171: {  	p1 =	por !p2, !p1;
	v28 =	vnsel vm7, $0x0, v30;
	v30 =	vsub.f32 v53, v22;
	vm7 =	vmmov vm1  }
0x172: {  	p1 =	por !p1, !p1;
	v31 =	vmul.f32 $5.000000000e-01, v29;
	v35 =	vand.u32 $0x7FFFFFFF, v34;
	v63 =	vmul.f32 $5.000000000e-01, v34  }
0x173: {  	v38 =	vadd.f32 $-5.000000000e-01, v36;
	vm7 =	vmneg @p1 vm7;
	v27 =	vadd.f32 v28, v27  }
0x174: {  	p0 =	sne.s32 s26, $0x20;
	vm6 =	vmand vm7, vm5;
	v28 =	vmul.f32 $5.000000000e-01, v30;
	vm5 =	vmand vm7, vm8  }
.Ltmp1:
0x175: {  	vm8 =	vgt.f32 v58, $0.0e+00;
	v33 =	vand.u32 $0x7FFFFFFF, v30;
	v31 =	vmul.f32 v31, v29;
	(pc) =	sbr.rel @p0 .LBB2_4-.Ltmp1, $4  }
0x176: {  	v34 =	vmul.f32 v63, v34;
	v62 =	vadd.f32 $-5.000000000e-01, v33;
	vm9 =	vlt.f32 v33, $1.000000000e+00  }
0x177: {  	vm8 =	vmand vm2, vm8;
	v28 =	vmul.f32 v28, v30;
	v30 =	vsel vm5, $0x3F800000, v15  }
0x178: {  	s4 =	sadd.s32 s4, s13;
	vm7 =	vmand vm7, vm8;
	vm8 =	vlt.f32 v35, $1.000000000e+00;
	v23 =	vadd.f32 v30, v23  }
0x179: {  	s26 =	sadd.s32 $0x1, s26;
	s28 =	sadd.s32 $0x80, s28;
	s29 =	sadd.s32 $0x100, s29;
	v39 =	vld.idx.msk [tilespmem:v24+s4+$0x0 ss:$0x1], $0xffff;
	v30 =	vsel vm6, $0x3F800000, v15;
	v33 =	vsel vm9, v28, v62;
	v28 =	vsel vm7, $0x3F800000, v15  }
0x17a: {  	_ =	sdelay $0x1  }
0x17b: {  	vm2 =	vlt.f32 v36, $1.000000000e+00  }
0x17c: {  	v16 =	vadd.f32 $-5.000000000e-01, v35;
	v18 =	vmul.f32 $5.000000000e-01, v37;
	v20 =	vmul.f32 v40, v32  }
0x17d: {  	v22 =	vand.u32 $0x7FFFFFFF, v29;
	v24 =	vand.u32 $0x7FFFFFFF, v37;
	v21 =	vsub.f32 v39, v21  }
0x17e: {  	v29 =	vadd.f32 $-5.000000000e-01, v22;
	v59 =	vadd.f32 $-5.000000000e-01, v24;
	v18 =	vmul.f32 v18, v37  }
0x17f: {  	v20 =	vsel vm2, v20, v38;
	vm2 =	vlt.f32 v22, $1.000000000e+00;
	v58 =	vmul.f32 $5.000000000e-01, v21  }
0x180: {  	v29 =	vsel vm2, v31, v29;
	vm2 =	vlt.f32 v24, $1.000000000e+00;
	v60 =	vand.u32 $0x7FFFFFFF, v21  }
0x181: {  	v18 =	vsel vm2, v18, v59;
	v61 =	vadd.f32 $-5.000000000e-01, v60;
	v21 =	vmul.f32 v58, v21  }
0x182: {  	v20 =	vadd.f32 v33, v20;
	v18 =	vadd.f32 v29, v18;
	vm2 =	vlt.f32 v60, $1.000000000e+00  }
0x183: {  	v16 =	vsel vm8, v34, v16;
	v21 =	vsel vm2, v21, v61  }
0x184: {  	v20 =	vnsel vm6, $0x0, v20;
	v18 =	vnsel vm5, $0x0, v18;
	v16 =	vadd.f32 v21, v16  }
0x185: {  	v19 =	vadd.f32 v20, v19;
	v17 =	vadd.f32 v18, v17  }
0x186: {  	v62 =	vadd.f32 v30, v26;
	v16 =	vnsel vm7, $0x0, v16  }
0x187: {  	v17 =	vadd.f32 v19, v17;
	v16 =	vadd.f32 v16, v27  }
0x188: {  	v63 =	vadd.f32 v28, v25;
	v18 =	vadd.f32 v62, v23  }
0x189: {  	v16 =	vadd.f32 v16, v17  }
0x18a: {  	s18 =	sadd.s32 $0x1, s18;
	v17 =	vadd.f32 v63, v18  }
0x18b: {  	p0 =	sne.s32 s18, s8;
	[tilespmem:$0xF300] =	vst v16  }
.Ltmp2:
0x18c: {  	[tilespmem:$0xF380] =	vst v17;
	(pc) =	sbr.rel @p0 .LBB2_1-.Ltmp2, $4  }
0x18d: {  	[hbm4b:s7+s5] =	stream.linear.scatter [tilespmem:s17], [sflag:$0x2], $0x100, $0x38;
	[tilespmem:$0xF400] =	vst v63  }
0x18e: {  	_ =	swait.ge [sflag:s9], $0x100  }
0x18f: {  	[sflag:s9] =	ssyncset.done $0x0  }
0x190: {  	[sflag:s9] =	ssyncadd.s32 $0xFFFFFF00  }
0x191: {  	_ =	sfence.sel $0x180000  }
0x192: {  	[bflag:$0x0] =	sbarrier.arrive $0xFFFF  }
0x193: {  	_ =	strace $0x90000047  }
0x194: {  	s0 =	stileid.u32;
	[bflag:$0x2] =	sbarrier.arrive $0xFFFF  }
0x195: {  	p0 =	sne.s32 s0, $0x0;
	s0 =	rddreg [dreg:$0x4]  }
0x196: {  	s0 =	sadd.s32 @!p0 $0x100000, s0  }
0x197: {  	[sflag:s0] =	ssyncadd.tile.s32 @!p0 $0x1;
	_ =	shalt  }
.Lfunc_end2:
_tile_overlayer_lowered:
.L_overlay_start_2:
0x198: {  	(tag) =	ssettag $0x2  }
0x199: {  	s0 =	rddreg [dreg:$0x0];
	s2 =	stileid.u32  }
0x19a: {  	s1 =	rddreg [dreg:$0x1];
	p0 =	sne.s32 s2, $0x0  }
0x19b: {  	s3 =	rddreg [dreg:$0x2];
	[bflag:$0x3] =	sbarrier.arrive $0xFFFF;
	s2 =	simm.s32 @!p0 $0x1C02  }
0x19c: {  	[timem:s3], [sflag:s2] =	dma.local @!p0 [hbm:s0], s1  }
0x19d: {  	s0 =	simm.s32 @!p0 $0x2  }
0x19e: {  	_ =	swait.ge @!p0 [sflag:s0], s1  }
0x19f: {  	s1 =	ssub.s32 @!p0 $0x0, s1;
	[sflag:s0] =	ssyncset.done @!p0 $0x0  }
0x1a0: {  	[sflag:s0] =	ssyncadd.s32 @!p0 s1  }
0x1a1: {  	[bflag:$0x3] =	sbarrier.arrive $0xFFFF  }
0x1a2: {  	_ =	shalt  }

</sc_bundles>
